<compile_context>
chip_gen: v7x
topology: tpu7x:2x2x1
jax: 0.10.2.dev20260603
libtpu: 0.0.44.dev20260713+nightly
codegen_flags: <defaults>
</compile_context>

<pallas_src>
import dataclasses
import functools

import jax
import jax.numpy as jnp
from jax import lax
from jax.experimental import pallas as pl
from jax.experimental.pallas import tpu as pltpu
from jax.experimental.pallas import tpu_sc as plsc

N = 10000
E = 160000
D = 256
DH = 128
NC = 2
NS = 16
CHUNK = 128
NP = 10240
NH = 80
EP = 163840
ROWS_PER_TILE = NP // NS
EDGES_PER_TILE_K1 = EP // (NC * NS)
EDGES_PER_TILE_K4 = EP // NS
NCHUNK_K4 = EDGES_PER_TILE_K4 // CHUNK

_mesh = plsc.VectorSubcoreMesh(core_axis_name="c", subcore_axis_name="s")

_sc_params = pltpu.CompilerParams()
if "needs_layout_passes" in pltpu.CompilerParams.__dataclass_fields__:
    _sc_params = dataclasses.replace(_sc_params, needs_layout_passes=False)


@functools.partial(
    pl.kernel,
    out_type=jax.ShapeDtypeStruct((NC, NH, DH), jnp.float32),
    mesh=_mesh,
    scratch_types=[
        pltpu.VMEM((EDGES_PER_TILE_K1,), jnp.int32),
        pltpu.VMEM((NH, DH), jnp.float32),
        pltpu.VMEM((NH,), jnp.int32),
        pltpu.VMEM_SHARED((NH, DH), jnp.float32),
    ],
    compiler_params=_sc_params,
)
def _deg_kernel(dst_hbm, zeros_hbm, acc_out_hbm, idx_v, hist_v, iota_v,
                acc_sh):
    c = lax.axis_index("c")
    s = lax.axis_index("s")
    base = (c * NS + s) * EDGES_PER_TILE_K1
    pltpu.sync_copy(dst_hbm.at[pl.ds(base, EDGES_PER_TILE_K1)], idx_v)
    pltpu.sync_copy(zeros_hbm.at[pl.ds(0, NH)], hist_v)

    @pl.when(s < NH // 8)
    def _():
        pltpu.sync_copy(zeros_hbm.at[pl.ds(s * 8, 8)],
                        acc_sh.at[pl.ds(s * 8, 8)])

    @pl.loop(0, NH, step=16)
    def _(k):
        iota_v[pl.ds(k, 16)] = lax.iota(jnp.int32, 16) + k

    ones = jnp.ones((16,), jnp.float32)

    @pl.loop(0, EDGES_PER_TILE_K1, step=16)
    def _(k):
        idx16 = idx_v[pl.ds(k, 16)]
        plsc.addupdate_scatter(hist_v, [idx16 >> 7, idx16 & 127], ones)

    plsc.subcore_barrier()
    pltpu.sync_copy(hist_v, acc_sh.at[iota_v], add=True)
    plsc.subcore_barrier()

    @pl.when(s < NH // 8)
    def _():
        pltpu.sync_copy(acc_sh.at[pl.ds(s * 8, 8)],
                        acc_out_hbm.at[c].at[pl.ds(s * 8, 8)])


NBUF = 2


@functools.partial(
    pl.kernel,
    out_type=jax.ShapeDtypeStruct((NC, NP, DH), jnp.float32),
    mesh=_mesh,
    scratch_types=[
        pltpu.VMEM((NBUF, CHUNK), jnp.int32),
        pltpu.VMEM((NCHUNK_K4, CHUNK), jnp.int32),
        pltpu.VMEM((NBUF, CHUNK, DH), jnp.float32),
        pltpu.VMEM_SHARED((NP, DH), jnp.float32),
    ] + [pltpu.SemaphoreType.DMA] * (2 * NBUF),
)
def _agg_kernel(hs_hbm, src_hbm, dst_hbm, zeros_hbm, r_out_hbm, sidx_v,
                didx_v, bufs, acc_sh, *sems):
    gsems = sems[:NBUF]
    ssems = sems[NBUF:]
    c = lax.axis_index("c")
    s = lax.axis_index("s")
    row0 = s * ROWS_PER_TILE
    cbase = s * NCHUNK_K4
    pltpu.sync_copy(dst_hbm.at[pl.ds(cbase, NCHUNK_K4)], didx_v)
    pltpu.sync_copy(src_hbm.at[pl.ds(cbase, NBUF)], sidx_v)
    pltpu.sync_copy(zeros_hbm.at[pl.ds(row0, ROWS_PER_TILE)],
                    acc_sh.at[pl.ds(row0, ROWS_PER_TILE)])
    plsc.subcore_barrier()

    table = hs_hbm.at[c]

    def start_gather(b):
        pltpu.async_copy(table.at[sidx_v.at[b]], bufs.at[b], gsems[b])

    def wait_gather(b):
        pltpu.make_async_copy(table.at[sidx_v.at[b]], bufs.at[b],
                              gsems[b]).wait()

    def start_scatter(j, b):
        pltpu.async_copy(bufs.at[b], acc_sh.at[didx_v.at[j]], ssems[b],
                         add=True)

    def wait_scatter(j, b):
        pltpu.make_async_copy(bufs.at[b], acc_sh.at[didx_v.at[j]],
                              ssems[b]).wait()

    for b in range(NBUF):
        start_gather(b)

    @pl.loop(0, NCHUNK_K4 - NBUF, step=NBUF)
    def _(j0):
        for b in range(NBUF):
            wait_gather(b)
            start_scatter(j0 + b, b)
        pltpu.sync_copy(src_hbm.at[pl.ds(cbase + j0 + NBUF, NBUF)], sidx_v)
        for b in range(NBUF):
            wait_scatter(j0 + b, b)
            start_gather(b)

    for b in range(NBUF):
        j = NCHUNK_K4 - NBUF + b
        wait_gather(b)
        start_scatter(j, b)
    for b in range(NBUF):
        wait_scatter(NCHUNK_K4 - NBUF + b, b)

    plsc.subcore_barrier()
    pltpu.sync_copy(acc_sh.at[pl.ds(row0, ROWS_PER_TILE)],
                    r_out_hbm.at[c].at[pl.ds(row0, ROWS_PER_TILE)])


_RB = 1000


def _mm_body(x_ref, w_ref, o_ref):
    o_ref[...] = jnp.dot(x_ref[...], w_ref[...],
                         preferred_element_type=jnp.float32)


def _matmul(X, W):
    return pl.pallas_call(
        _mm_body,
        grid=(N // _RB,),
        in_specs=[
            pl.BlockSpec((_RB, D), lambda i: (i, 0)),
            pl.BlockSpec((D, D), lambda i: (0, 0)),
        ],
        out_specs=pl.BlockSpec((_RB, D), lambda i: (i, 0)),
        out_shape=jax.ShapeDtypeStruct((N, D), jnp.float32),
    )(X, W)


def _norm_from_acc(acc_ref):
    deg = acc_ref[0, 0, 0] + acc_ref[1, 0, 0]
    return lax.rsqrt(jnp.maximum(deg, 1.0))


def _scale_body(h_ref, acc_ref, o_ref):
    norm = _norm_from_acc(acc_ref)[:, None]
    h = h_ref[...]
    o_ref[0] = h[:, :DH] * norm
    o_ref[1] = h[:, DH:] * norm


def _scale(H, acc):
    return pl.pallas_call(
        _scale_body,
        grid=(N // _RB,),
        in_specs=[
            pl.BlockSpec((_RB, D), lambda i: (i, 0)),
            pl.BlockSpec((NC, 1, 1, _RB), lambda i: (0, i, 0, 0)),
        ],
        out_specs=pl.BlockSpec((NC, _RB, DH), lambda i: (0, i, 0)),
        out_shape=jax.ShapeDtypeStruct((NC, N, DH), jnp.float32),
    )(H, acc)


def _final_body(r_ref, acc_ref, o_ref):
    norm = _norm_from_acc(acc_ref)[:, None]
    o_ref[:, :DH] = r_ref[0] * norm
    o_ref[:, DH:] = r_ref[1] * norm


def _final(R, acc):
    return pl.pallas_call(
        _final_body,
        grid=(N // _RB,),
        in_specs=[
            pl.BlockSpec((NC, _RB, DH), lambda i: (0, i, 0)),
            pl.BlockSpec((NC, 1, 1, _RB), lambda i: (0, i, 0, 0)),
        ],
        out_specs=pl.BlockSpec((_RB, D), lambda i: (i, 0)),
        out_shape=jax.ShapeDtypeStruct((N, D), jnp.float32),
    )(R, acc)


def kernel(X, edge_index, weights):
    src = edge_index[0].astype(jnp.int32)
    dst = edge_index[1].astype(jnp.int32)
    pad = EP - E
    srcp = jnp.concatenate([src, jnp.zeros((pad,), jnp.int32)])
    dstp = jnp.concatenate([dst, jnp.full((pad,), N, jnp.int32)])

    zeros128 = jnp.zeros((NP, DH), jnp.float32)

    srcm = jnp.concatenate(
        [srcp.reshape(EP // CHUNK, CHUNK),
         jnp.zeros((8, CHUNK), jnp.int32)])
    dstm = jnp.concatenate(
        [dstp.reshape(EP // CHUNK, CHUNK),
         jnp.full((8, CHUNK), N, jnp.int32)])

    acc = _deg_kernel(dstp, zeros128)
    degp = acc.reshape(NC, NH * DH)[:, :N]
    degp = degp.reshape(NC, N // _RB, 1, _RB)
    H = _matmul(X, weights)
    hs = _scale(H, degp)
    R = _agg_kernel(hs, srcm, dstm, zeros128)
    out = _final(R[:, :N, :], degp)
    return out

# --- scband reference (transcript-rebuilt; emitter-appended) ---
"""Pipeline reference for scband-gcnconv-35442070126638 (READ-ONLY COPY).

The authoritative reference and input builder live on the scoring server;
editing this copy changes nothing except your own understanding.
"""

import jax, jax.numpy as jnp
import numpy as np

N_NODES = 10000
N_EDGES = 160000
D_IN = 256
D_OUT = 256

def setup_inputs(seed: int = 0) -> dict:
    key = jax.random.key(seed)
    k1, k2, k3 = jax.random.split(key, 3)
    X = jax.random.normal(k1, (N_NODES, D_IN), dtype=jnp.float32)
    edge_index = jax.random.randint(k2, (2, N_EDGES), 0, N_NODES, dtype=jnp.int64)
    # Parameter init mirrors GCNConv.reset_parameters: uniform(-stdv, stdv), stdv=1/sqrt(output_dim)
    stdv = 1.0 / np.sqrt(D_OUT)
    weights = jax.random.uniform(k3, (D_IN, D_OUT), dtype=jnp.float32, minval=-stdv, maxval=stdv)
    return {"X": X, "edge_index": edge_index, "weights": weights}

def reference(X, edge_index, weights):
    # GNNAdvisor-style GCNConv forward: X' = A_norm @ (X @ W)
    # where A_norm uses symmetric degree normalization 1/sqrt(d_src * d_dst)
    # (the CUDA kernel aggregates over the CSR neighbor lists with per-node degree factors).
    src = edge_index[0]
    dst = edge_index[1]
    n = X.shape[0]
    # degrees from the graph structure (in-degree per destination node)
    deg = jnp.zeros((n,), dtype=jnp.float32).at[dst].add(1.0)
    deg = jnp.maximum(deg, 1.0)
    norm = jax.lax.rsqrt(deg)
    # dense transform (compute-heavy part)
    H = X @ weights
    # gather messages from source nodes, scale by symmetric norm, scatter-add to dst
    coef = (norm[src] * norm[dst])[:, None]
    msgs = jnp.take(H, src, axis=0) * coef
    out = jax.ops.segment_sum(msgs, dst, num_segments=n)
    return out

if __name__ == "__main__":
    import jax
    _d = setup_inputs()
    print(jax.jit(kernel)(*tuple(_d.values())))

</pallas_src>

<mosaic_0001>
#map = affine_map<(d0, d1) -> (0, 0, 0)>
#map1 = affine_map<(d0, d1) -> (0, 0)>
module attributes {stable_mosaic.version = 14 : i64} {
  func.func @_agg_kernel(%arg0: i32, %arg1: i32, %arg2: memref<2x10000x128xf32, #tpu.memory_space<hbm>>, %arg3: memref<1288x128xi32, #tpu.memory_space<hbm>>, %arg4: memref<1288x128xi32, #tpu.memory_space<hbm>>, %arg5: memref<10240x128xf32, #tpu.memory_space<hbm>>, %arg6: memref<2x10240x128xf32, #tpu.memory_space<hbm>>, %arg7: memref<2x128xi32, #tpu.memory_space<vmem>>, %arg8: memref<80x128xi32, #tpu.memory_space<vmem>>, %arg9: memref<2x128x128xf32, #tpu.memory_space<vmem>>, %arg10: memref<10240x128xf32, #tpu.memory_space<vmem_shared>>, %arg11: memref<!tpu.dma_semaphore, #tpu.memory_space<semaphore_mem>>, %arg12: memref<!tpu.dma_semaphore, #tpu.memory_space<semaphore_mem>>, %arg13: memref<!tpu.dma_semaphore, #tpu.memory_space<semaphore_mem>>, %arg14: memref<!tpu.dma_semaphore, #tpu.memory_space<semaphore_mem>>) attributes {dimension_semantics = [#tpu.dimension_semantics<core_parallel>, #tpu.dimension_semantics<subcore_parallel>], iteration_bounds = array<i64: 2, 16>, scalar_prefetch = 0 : i64, scratch_operands = 8 : i64, tpu.core_type = #tpu.core_type<sc_vector_subcore>, window_params = [{transform_indices = #map}, {transform_indices = #map1}, {transform_indices = #map1}, {transform_indices = #map1}, {transform_indices = #map}]} {
    %mul3A = arith.constant 640 : i32
    %mul3A_0 = arith.muli %arg1, %mul3A : i32
    %mul3A_1 = arith.constant 80 : i32
    %mul3A_2 = arith.muli %arg1, %mul3A_1 : i32
    "tpu.region"() ({
      %run_scoped3A = tpu.sem_alloc : memref<!tpu.dma_semaphore, #tpu.memory_space<semaphore_mem>>
      %dma_start3A_118 = arith.constant 0 : i32
      %dma_start3A_119 = tpu.memref_slice %arg4[%mul3A_2, %dma_start3A_118] : memref<1288x128xi32, #tpu.memory_space<hbm>> -> memref<80x128xi32, #tpu.memory_space<hbm>>
      %dma_start3A_120 = arith.constant 0 : i32
      %dma_start3A_121 = tpu.memref_slice %arg4[%mul3A_2, %dma_start3A_120] : memref<1288x128xi32, #tpu.memory_space<hbm>> -> memref<80x128xi32, #tpu.memory_space<hbm>>
      tpu.enqueue_dma source(%dma_start3A_121 : memref<80x128xi32, #tpu.memory_space<hbm>>) target(%arg8 : memref<80x128xi32, #tpu.memory_space<vmem>>) target_semaphore(%run_scoped3A : memref<!tpu.dma_semaphore, #tpu.memory_space<semaphore_mem>>)
      %dma_wait3A_122 = arith.constant 0 : i32
      %dma_wait3A_123 = tpu.memref_slice %arg4[%mul3A_2, %dma_wait3A_122] : memref<1288x128xi32, #tpu.memory_space<hbm>> -> memref<80x128xi32, #tpu.memory_space<hbm>>
      %dma_wait3A_124 = arith.constant 0 : i32
      %dma_wait3A_125 = tpu.memref_slice %arg4[%mul3A_2, %dma_wait3A_124] : memref<1288x128xi32, #tpu.memory_space<hbm>> -> memref<80x128xi32, #tpu.memory_space<hbm>>
      tpu.wait_dma2 semaphore(%run_scoped3A : memref<!tpu.dma_semaphore, #tpu.memory_space<semaphore_mem>>) src(%dma_wait3A_125 : memref<80x128xi32, #tpu.memory_space<hbm>>) dst(%arg8 : memref<80x128xi32, #tpu.memory_space<vmem>>)
      tpu.yield
    }) : () -> ()
    "tpu.region"() ({
      %run_scoped3A = tpu.sem_alloc : memref<!tpu.dma_semaphore, #tpu.memory_space<semaphore_mem>>
      %dma_start3A_118 = arith.constant 0 : i32
      %dma_start3A_119 = tpu.memref_slice %arg3[%mul3A_2, %dma_start3A_118] : memref<1288x128xi32, #tpu.memory_space<hbm>> -> memref<2x128xi32, #tpu.memory_space<hbm>>
      %dma_start3A_120 = arith.constant 0 : i32
      %dma_start3A_121 = tpu.memref_slice %arg3[%mul3A_2, %dma_start3A_120] : memref<1288x128xi32, #tpu.memory_space<hbm>> -> memref<2x128xi32, #tpu.memory_space<hbm>>
      tpu.enqueue_dma source(%dma_start3A_121 : memref<2x128xi32, #tpu.memory_space<hbm>>) target(%arg7 : memref<2x128xi32, #tpu.memory_space<vmem>>) target_semaphore(%run_scoped3A : memref<!tpu.dma_semaphore, #tpu.memory_space<semaphore_mem>>)
      %dma_wait3A_122 = arith.constant 0 : i32
      %dma_wait3A_123 = tpu.memref_slice %arg3[%mul3A_2, %dma_wait3A_122] : memref<1288x128xi32, #tpu.memory_space<hbm>> -> memref<2x128xi32, #tpu.memory_space<hbm>>
      %dma_wait3A_124 = arith.constant 0 : i32
      %dma_wait3A_125 = tpu.memref_slice %arg3[%mul3A_2, %dma_wait3A_124] : memref<1288x128xi32, #tpu.memory_space<hbm>> -> memref<2x128xi32, #tpu.memory_space<hbm>>
      tpu.wait_dma2 semaphore(%run_scoped3A : memref<!tpu.dma_semaphore, #tpu.memory_space<semaphore_mem>>) src(%dma_wait3A_125 : memref<2x128xi32, #tpu.memory_space<hbm>>) dst(%arg7 : memref<2x128xi32, #tpu.memory_space<vmem>>)
      tpu.yield
    }) : () -> ()
    "tpu.region"() ({
      %run_scoped3A = tpu.sem_alloc : memref<!tpu.dma_semaphore, #tpu.memory_space<semaphore_mem>>
      %dma_start3A_118 = arith.constant 0 : i32
      %dma_start3A_119 = tpu.memref_slice %arg10[%mul3A_0, %dma_start3A_118] : memref<10240x128xf32, #tpu.memory_space<vmem_shared>> -> memref<640x128xf32, #tpu.memory_space<vmem_shared>>
      %dma_start3A_120 = arith.constant 0 : i32
      %dma_start3A_121 = tpu.memref_slice %arg5[%mul3A_0, %dma_start3A_120] : memref<10240x128xf32, #tpu.memory_space<hbm>> -> memref<640x128xf32, #tpu.memory_space<hbm>>
      tpu.enqueue_dma source(%dma_start3A_121 : memref<640x128xf32, #tpu.memory_space<hbm>>) target(%dma_start3A_119 : memref<640x128xf32, #tpu.memory_space<vmem_shared>>) target_semaphore(%run_scoped3A : memref<!tpu.dma_semaphore, #tpu.memory_space<semaphore_mem>>)
      %dma_wait3A_122 = arith.constant 0 : i32
      %dma_wait3A_123 = tpu.memref_slice %arg10[%mul3A_0, %dma_wait3A_122] : memref<10240x128xf32, #tpu.memory_space<vmem_shared>> -> memref<640x128xf32, #tpu.memory_space<vmem_shared>>
      %dma_wait3A_124 = arith.constant 0 : i32
      %dma_wait3A_125 = tpu.memref_slice %arg5[%mul3A_0, %dma_wait3A_124] : memref<10240x128xf32, #tpu.memory_space<hbm>> -> memref<640x128xf32, #tpu.memory_space<hbm>>
      tpu.wait_dma2 semaphore(%run_scoped3A : memref<!tpu.dma_semaphore, #tpu.memory_space<semaphore_mem>>) src(%dma_wait3A_125 : memref<640x128xf32, #tpu.memory_space<hbm>>) dst(%dma_wait3A_123 : memref<640x128xf32, #tpu.memory_space<vmem_shared>>)
      tpu.yield
    }) : () -> ()
    %barrier3A = arith.constant 0 : index
    tpu.barrier barrier_id(%barrier3A)
    %dma_start3A = arith.constant 0 : i32
    %dma_start3A_3 = arith.constant 0 : i32
    %dma_start3A_4 = arith.constant 0 : i32
    %dma_start3A_5 = arith.constant 0 : i32
    %dma_start3A_6 = tpu.memref_slice %arg9[%dma_start3A_3, %dma_start3A_4, %dma_start3A_5] : memref<2x128x128xf32, #tpu.memory_space<vmem>> -> memref<1x128x128xf32, #tpu.memory_space<vmem>>
    %dma_start3A_7 = tpu.memref_squeeze %dma_start3A_6 : memref<1x128x128xf32, #tpu.memory_space<vmem>> -> memref<128x128xf32, #tpu.memory_space<vmem>>
    %dma_start3A_8 = arith.constant 0 : i32
    %dma_start3A_9 = tpu.memref_slice %arg7[%dma_start3A, %dma_start3A_8] : memref<2x128xi32, #tpu.memory_space<vmem>> -> memref<1x128xi32, #tpu.memory_space<vmem>>
    %dma_start3A_10 = tpu.memref_squeeze %dma_start3A_9 : memref<1x128xi32, #tpu.memory_space<vmem>> -> memref<128xi32, #tpu.memory_space<vmem>>
    %dma_start3A_11 = arith.constant 0 : i32
    %dma_start3A_12 = arith.constant 0 : i32
    %dma_start3A_13 = tpu.memref_slice %arg2[%arg0, %dma_start3A_11, %dma_start3A_12] : memref<2x10000x128xf32, #tpu.memory_space<hbm>> -> memref<1x10000x128xf32, #tpu.memory_space<hbm>>
    %dma_start3A_14 = tpu.memref_squeeze %dma_start3A_13 : memref<1x10000x128xf32, #tpu.memory_space<hbm>> -> memref<10000x128xf32, #tpu.memory_space<hbm>>
    %dma_start3A_15 = arith.constant 0 : i32
    %dma_start3A_16 = arith.constant 0 : i32
    %dma_start3A_17 = tpu.memref_slice %dma_start3A_14[%dma_start3A_15, %dma_start3A_16] : memref<10000x128xf32, #tpu.memory_space<hbm>> -> memref<10000x128xf32, #tpu.memory_space<hbm>>
    tpu.enqueue_indirect_dma source(%dma_start3A_17 : memref<10000x128xf32, #tpu.memory_space<hbm>>) target(%dma_start3A_7 : memref<128x128xf32, #tpu.memory_space<vmem>>) offsets(%dma_start3A_10 : memref<128xi32, #tpu.memory_space<vmem>>) semaphore(%arg11 : memref<!tpu.dma_semaphore, #tpu.memory_space<semaphore_mem>>)
    %dma_start3A_18 = arith.constant 1 : i32
    %dma_start3A_19 = arith.constant 1 : i32
    %dma_start3A_20 = arith.constant 0 : i32
    %dma_start3A_21 = arith.constant 0 : i32
    %dma_start3A_22 = tpu.memref_slice %arg9[%dma_start3A_19, %dma_start3A_20, %dma_start3A_21] : memref<2x128x128xf32, #tpu.memory_space<vmem>> -> memref<1x128x128xf32, #tpu.memory_space<vmem>>
    %dma_start3A_23 = tpu.memref_squeeze %dma_start3A_22 : memref<1x128x128xf32, #tpu.memory_space<vmem>> -> memref<128x128xf32, #tpu.memory_space<vmem>>
    %dma_start3A_24 = arith.constant 0 : i32
    %dma_start3A_25 = tpu.memref_slice %arg7[%dma_start3A_18, %dma_start3A_24] : memref<2x128xi32, #tpu.memory_space<vmem>> -> memref<1x128xi32, #tpu.memory_space<vmem>>
    %dma_start3A_26 = tpu.memref_squeeze %dma_start3A_25 : memref<1x128xi32, #tpu.memory_space<vmem>> -> memref<128xi32, #tpu.memory_space<vmem>>
    %dma_start3A_27 = arith.constant 0 : i32
    %dma_start3A_28 = arith.constant 0 : i32
    %dma_start3A_29 = tpu.memref_slice %arg2[%arg0, %dma_start3A_27, %dma_start3A_28] : memref<2x10000x128xf32, #tpu.memory_space<hbm>> -> memref<1x10000x128xf32, #tpu.memory_space<hbm>>
    %dma_start3A_30 = tpu.memref_squeeze %dma_start3A_29 : memref<1x10000x128xf32, #tpu.memory_space<hbm>> -> memref<10000x128xf32, #tpu.memory_space<hbm>>
    %dma_start3A_31 = arith.constant 0 : i32
    %dma_start3A_32 = arith.constant 0 : i32
    %dma_start3A_33 = tpu.memref_slice %dma_start3A_30[%dma_start3A_31, %dma_start3A_32] : memref<10000x128xf32, #tpu.memory_space<hbm>> -> memref<10000x128xf32, #tpu.memory_space<hbm>>
    tpu.enqueue_indirect_dma source(%dma_start3A_33 : memref<10000x128xf32, #tpu.memory_space<hbm>>) target(%dma_start3A_23 : memref<128x128xf32, #tpu.memory_space<vmem>>) offsets(%dma_start3A_26 : memref<128xi32, #tpu.memory_space<vmem>>) semaphore(%arg12 : memref<!tpu.dma_semaphore, #tpu.memory_space<semaphore_mem>>)
    %scan3A = arith.constant 0 : i32
    %scan3A_34 = arith.constant 39 : i32
    %scan3A_35 = arith.addi %scan3A, %scan3A_34 : i32
    %scan3A_36 = arith.constant 1 : i32
    scf.for %scan3A_118 = %scan3A to %scan3A_35 step %scan3A_36  : i32 {
      %mul3A_119 = arith.constant 2 : i32
      %mul3A_120 = arith.muli %scan3A_118, %mul3A_119 : i32
      %add3A = arith.constant 0 : i32
      %add3A_121 = arith.addi %add3A, %mul3A_120 : i32
      %dma_wait3A_122 = arith.constant 0 : i32
      %dma_wait3A_123 = arith.constant 0 : i32
      %dma_wait3A_124 = arith.constant 0 : i32
      %dma_wait3A_125 = arith.constant 0 : i32
      %dma_wait3A_126 = tpu.memref_slice %arg9[%dma_wait3A_123, %dma_wait3A_124, %dma_wait3A_125] : memref<2x128x128xf32, #tpu.memory_space<vmem>> -> memref<1x128x128xf32, #tpu.memory_space<vmem>>
      %dma_wait3A_127 = tpu.memref_squeeze %dma_wait3A_126 : memref<1x128x128xf32, #tpu.memory_space<vmem>> -> memref<128x128xf32, #tpu.memory_space<vmem>>
      %dma_wait3A_128 = arith.constant 0 : i32
      %dma_wait3A_129 = tpu.memref_slice %arg7[%dma_wait3A_122, %dma_wait3A_128] : memref<2x128xi32, #tpu.memory_space<vmem>> -> memref<1x128xi32, #tpu.memory_space<vmem>>
      %dma_wait3A_130 = tpu.memref_squeeze %dma_wait3A_129 : memref<1x128xi32, #tpu.memory_space<vmem>> -> memref<128xi32, #tpu.memory_space<vmem>>
      %dma_wait3A_131 = arith.constant 0 : i32
      %dma_wait3A_132 = arith.constant 0 : i32
      %dma_wait3A_133 = tpu.memref_slice %arg2[%arg0, %dma_wait3A_131, %dma_wait3A_132] : memref<2x10000x128xf32, #tpu.memory_space<hbm>> -> memref<1x10000x128xf32, #tpu.memory_space<hbm>>
      %dma_wait3A_134 = tpu.memref_squeeze %dma_wait3A_133 : memref<1x10000x128xf32, #tpu.memory_space<hbm>> -> memref<10000x128xf32, #tpu.memory_space<hbm>>
      %dma_wait3A_135 = arith.constant 0 : i32
      %dma_wait3A_136 = arith.constant 0 : i32
      %dma_wait3A_137 = tpu.memref_slice %dma_wait3A_134[%dma_wait3A_135, %dma_wait3A_136] : memref<10000x128xf32, #tpu.memory_space<hbm>> -> memref<10000x128xf32, #tpu.memory_space<hbm>>
      tpu.wait_indirect_dma semaphore(%arg11 : memref<!tpu.dma_semaphore, #tpu.memory_space<semaphore_mem>>) src(%dma_wait3A_137 : memref<10000x128xf32, #tpu.memory_space<hbm>>) dst(%dma_wait3A_127 : memref<128x128xf32, #tpu.memory_space<vmem>>)
      %add3A_138 = arith.constant 0 : i32
      %add3A_139 = arith.addi %add3A_121, %add3A_138 : i32
      %dma_start3A_140 = arith.constant 0 : i32
      %dma_start3A_141 = arith.constant 0 : i32
      %dma_start3A_142 = arith.constant 0 : i32
      %dma_start3A_143 = tpu.memref_slice %arg9[%dma_start3A_140, %dma_start3A_141, %dma_start3A_142] : memref<2x128x128xf32, #tpu.memory_space<vmem>> -> memref<1x128x128xf32, #tpu.memory_space<vmem>>
      %dma_start3A_144 = tpu.memref_squeeze %dma_start3A_143 : memref<1x128x128xf32, #tpu.memory_space<vmem>> -> memref<128x128xf32, #tpu.memory_space<vmem>>
      %dma_start3A_145 = arith.constant 0 : i32
      %dma_start3A_146 = tpu.memref_slice %arg8[%add3A_139, %dma_start3A_145] : memref<80x128xi32, #tpu.memory_space<vmem>> -> memref<1x128xi32, #tpu.memory_space<vmem>>
      %dma_start3A_147 = tpu.memref_squeeze %dma_start3A_146 : memref<1x128xi32, #tpu.memory_space<vmem>> -> memref<128xi32, #tpu.memory_space<vmem>>
      %dma_start3A_148 = arith.constant 0 : i32
      %dma_start3A_149 = arith.constant 0 : i32
      %dma_start3A_150 = tpu.memref_slice %arg10[%dma_start3A_148, %dma_start3A_149] : memref<10240x128xf32, #tpu.memory_space<vmem_shared>> -> memref<10240x128xf32, #tpu.memory_space<vmem_shared>>
      tpu.enqueue_indirect_dma source(%dma_start3A_144 : memref<128x128xf32, #tpu.memory_space<vmem>>) target(%dma_start3A_150 : memref<10240x128xf32, #tpu.memory_space<vmem_shared>>) offsets(%dma_start3A_147 : memref<128xi32, #tpu.memory_space<vmem>>) semaphore(%arg13 : memref<!tpu.dma_semaphore, #tpu.memory_space<semaphore_mem>>) {add = true}
      %dma_wait3A_151 = arith.constant 1 : i32
      %dma_wait3A_152 = arith.constant 1 : i32
      %dma_wait3A_153 = arith.constant 0 : i32
      %dma_wait3A_154 = arith.constant 0 : i32
      %dma_wait3A_155 = tpu.memref_slice %arg9[%dma_wait3A_152, %dma_wait3A_153, %dma_wait3A_154] : memref<2x128x128xf32, #tpu.memory_space<vmem>> -> memref<1x128x128xf32, #tpu.memory_space<vmem>>
      %dma_wait3A_156 = tpu.memref_squeeze %dma_wait3A_155 : memref<1x128x128xf32, #tpu.memory_space<vmem>> -> memref<128x128xf32, #tpu.memory_space<vmem>>
      %dma_wait3A_157 = arith.constant 0 : i32
      %dma_wait3A_158 = tpu.memref_slice %arg7[%dma_wait3A_151, %dma_wait3A_157] : memref<2x128xi32, #tpu.memory_space<vmem>> -> memref<1x128xi32, #tpu.memory_space<vmem>>
      %dma_wait3A_159 = tpu.memref_squeeze %dma_wait3A_158 : memref<1x128xi32, #tpu.memory_space<vmem>> -> memref<128xi32, #tpu.memory_space<vmem>>
      %dma_wait3A_160 = arith.constant 0 : i32
      %dma_wait3A_161 = arith.constant 0 : i32
      %dma_wait3A_162 = tpu.memref_slice %arg2[%arg0, %dma_wait3A_160, %dma_wait3A_161] : memref<2x10000x128xf32, #tpu.memory_space<hbm>> -> memref<1x10000x128xf32, #tpu.memory_space<hbm>>
      %dma_wait3A_163 = tpu.memref_squeeze %dma_wait3A_162 : memref<1x10000x128xf32, #tpu.memory_space<hbm>> -> memref<10000x128xf32, #tpu.memory_space<hbm>>
      %dma_wait3A_164 = arith.constant 0 : i32
      %dma_wait3A_165 = arith.constant 0 : i32
      %dma_wait3A_166 = tpu.memref_slice %dma_wait3A_163[%dma_wait3A_164, %dma_wait3A_165] : memref<10000x128xf32, #tpu.memory_space<hbm>> -> memref<10000x128xf32, #tpu.memory_space<hbm>>
      tpu.wait_indirect_dma semaphore(%arg12 : memref<!tpu.dma_semaphore, #tpu.memory_space<semaphore_mem>>) src(%dma_wait3A_166 : memref<10000x128xf32, #tpu.memory_space<hbm>>) dst(%dma_wait3A_156 : memref<128x128xf32, #tpu.memory_space<vmem>>)
      %add3A_167 = arith.constant 1 : i32
      %add3A_168 = arith.addi %add3A_121, %add3A_167 : i32
      %dma_start3A_169 = arith.constant 1 : i32
      %dma_start3A_170 = arith.constant 0 : i32
      %dma_start3A_171 = arith.constant 0 : i32
      %dma_start3A_172 = tpu.memref_slice %arg9[%dma_start3A_169, %dma_start3A_170, %dma_start3A_171] : memref<2x128x128xf32, #tpu.memory_space<vmem>> -> memref<1x128x128xf32, #tpu.memory_space<vmem>>
      %dma_start3A_173 = tpu.memref_squeeze %dma_start3A_172 : memref<1x128x128xf32, #tpu.memory_space<vmem>> -> memref<128x128xf32, #tpu.memory_space<vmem>>
      %dma_start3A_174 = arith.constant 0 : i32
      %dma_start3A_175 = tpu.memref_slice %arg8[%add3A_168, %dma_start3A_174] : memref<80x128xi32, #tpu.memory_space<vmem>> -> memref<1x128xi32, #tpu.memory_space<vmem>>
      %dma_start3A_176 = tpu.memref_squeeze %dma_start3A_175 : memref<1x128xi32, #tpu.memory_space<vmem>> -> memref<128xi32, #tpu.memory_space<vmem>>
      %dma_start3A_177 = arith.constant 0 : i32
      %dma_start3A_178 = arith.constant 0 : i32
      %dma_start3A_179 = tpu.memref_slice %arg10[%dma_start3A_177, %dma_start3A_178] : memref<10240x128xf32, #tpu.memory_space<vmem_shared>> -> memref<10240x128xf32, #tpu.memory_space<vmem_shared>>
      tpu.enqueue_indirect_dma source(%dma_start3A_173 : memref<128x128xf32, #tpu.memory_space<vmem>>) target(%dma_start3A_179 : memref<10240x128xf32, #tpu.memory_space<vmem_shared>>) offsets(%dma_start3A_176 : memref<128xi32, #tpu.memory_space<vmem>>) semaphore(%arg14 : memref<!tpu.dma_semaphore, #tpu.memory_space<semaphore_mem>>) {add = true}
      %add3A_180 = arith.addi %mul3A_2, %add3A_121 : i32
      %add3A_181 = arith.constant 2 : i32
      %add3A_182 = arith.addi %add3A_180, %add3A_181 : i32
      "tpu.region"() ({
        %run_scoped3A = tpu.sem_alloc : memref<!tpu.dma_semaphore, #tpu.memory_space<semaphore_mem>>
        %dma_start3A_241 = arith.constant 0 : i32
        %dma_start3A_242 = tpu.memref_slice %arg3[%add3A_182, %dma_start3A_241] : memref<1288x128xi32, #tpu.memory_space<hbm>> -> memref<2x128xi32, #tpu.memory_space<hbm>>
        %dma_start3A_243 = arith.constant 0 : i32
        %dma_start3A_244 = tpu.memref_slice %arg3[%add3A_182, %dma_start3A_243] : memref<1288x128xi32, #tpu.memory_space<hbm>> -> memref<2x128xi32, #tpu.memory_space<hbm>>
        tpu.enqueue_dma source(%dma_start3A_244 : memref<2x128xi32, #tpu.memory_space<hbm>>) target(%arg7 : memref<2x128xi32, #tpu.memory_space<vmem>>) target_semaphore(%run_scoped3A : memref<!tpu.dma_semaphore, #tpu.memory_space<semaphore_mem>>)
        %dma_wait3A_245 = arith.constant 0 : i32
        %dma_wait3A_246 = tpu.memref_slice %arg3[%add3A_182, %dma_wait3A_245] : memref<1288x128xi32, #tpu.memory_space<hbm>> -> memref<2x128xi32, #tpu.memory_space<hbm>>
        %dma_wait3A_247 = arith.constant 0 : i32
        %dma_wait3A_248 = tpu.memref_slice %arg3[%add3A_182, %dma_wait3A_247] : memref<1288x128xi32, #tpu.memory_space<hbm>> -> memref<2x128xi32, #tpu.memory_space<hbm>>
        tpu.wait_dma2 semaphore(%run_scoped3A : memref<!tpu.dma_semaphore, #tpu.memory_space<semaphore_mem>>) src(%dma_wait3A_248 : memref<2x128xi32, #tpu.memory_space<hbm>>) dst(%arg7 : memref<2x128xi32, #tpu.memory_space<vmem>>)
        tpu.yield
      }) : () -> ()
      %add3A_183 = arith.constant 0 : i32
      %add3A_184 = arith.addi %add3A_121, %add3A_183 : i32
      %dma_wait3A_185 = arith.constant 0 : i32
      %dma_wait3A_186 = arith.constant 0 : i32
      %dma_wait3A_187 = arith.constant 0 : i32
      %dma_wait3A_188 = tpu.memref_slice %arg9[%dma_wait3A_185, %dma_wait3A_186, %dma_wait3A_187] : memref<2x128x128xf32, #tpu.memory_space<vmem>> -> memref<1x128x128xf32, #tpu.memory_space<vmem>>
      %dma_wait3A_189 = tpu.memref_squeeze %dma_wait3A_188 : memref<1x128x128xf32, #tpu.memory_space<vmem>> -> memref<128x128xf32, #tpu.memory_space<vmem>>
      %dma_wait3A_190 = arith.constant 0 : i32
      %dma_wait3A_191 = tpu.memref_slice %arg8[%add3A_184, %dma_wait3A_190] : memref<80x128xi32, #tpu.memory_space<vmem>> -> memref<1x128xi32, #tpu.memory_space<vmem>>
      %dma_wait3A_192 = tpu.memref_squeeze %dma_wait3A_191 : memref<1x128xi32, #tpu.memory_space<vmem>> -> memref<128xi32, #tpu.memory_space<vmem>>
      %dma_wait3A_193 = arith.constant 0 : i32
      %dma_wait3A_194 = arith.constant 0 : i32
      %dma_wait3A_195 = tpu.memref_slice %arg10[%dma_wait3A_193, %dma_wait3A_194] : memref<10240x128xf32, #tpu.memory_space<vmem_shared>> -> memref<10240x128xf32, #tpu.memory_space<vmem_shared>>
      tpu.wait_indirect_dma semaphore(%arg13 : memref<!tpu.dma_semaphore, #tpu.memory_space<semaphore_mem>>) src(%dma_wait3A_189 : memref<128x128xf32, #tpu.memory_space<vmem>>) dst(%dma_wait3A_195 : memref<10240x128xf32, #tpu.memory_space<vmem_shared>>)
      %dma_start3A_196 = arith.constant 0 : i32
      %dma_start3A_197 = arith.constant 0 : i32
      %dma_start3A_198 = arith.constant 0 : i32
      %dma_start3A_199 = arith.constant 0 : i32
      %dma_start3A_200 = tpu.memref_slice %arg9[%dma_start3A_197, %dma_start3A_198, %dma_start3A_199] : memref<2x128x128xf32, #tpu.memory_space<vmem>> -> memref<1x128x128xf32, #tpu.memory_space<vmem>>
      %dma_start3A_201 = tpu.memref_squeeze %dma_start3A_200 : memref<1x128x128xf32, #tpu.memory_space<vmem>> -> memref<128x128xf32, #tpu.memory_space<vmem>>
      %dma_start3A_202 = arith.constant 0 : i32
      %dma_start3A_203 = tpu.memref_slice %arg7[%dma_start3A_196, %dma_start3A_202] : memref<2x128xi32, #tpu.memory_space<vmem>> -> memref<1x128xi32, #tpu.memory_space<vmem>>
      %dma_start3A_204 = tpu.memref_squeeze %dma_start3A_203 : memref<1x128xi32, #tpu.memory_space<vmem>> -> memref<128xi32, #tpu.memory_space<vmem>>
      %dma_start3A_205 = arith.constant 0 : i32
      %dma_start3A_206 = arith.constant 0 : i32
      %dma_start3A_207 = tpu.memref_slice %arg2[%arg0, %dma_start3A_205, %dma_start3A_206] : memref<2x10000x128xf32, #tpu.memory_space<hbm>> -> memref<1x10000x128xf32, #tpu.memory_space<hbm>>
      %dma_start3A_208 = tpu.memref_squeeze %dma_start3A_207 : memref<1x10000x128xf32, #tpu.memory_space<hbm>> -> memref<10000x128xf32, #tpu.memory_space<hbm>>
      %dma_start3A_209 = arith.constant 0 : i32
      %dma_start3A_210 = arith.constant 0 : i32
      %dma_start3A_211 = tpu.memref_slice %dma_start3A_208[%dma_start3A_209, %dma_start3A_210] : memref<10000x128xf32, #tpu.memory_space<hbm>> -> memref<10000x128xf32, #tpu.memory_space<hbm>>
      tpu.enqueue_indirect_dma source(%dma_start3A_211 : memref<10000x128xf32, #tpu.memory_space<hbm>>) target(%dma_start3A_201 : memref<128x128xf32, #tpu.memory_space<vmem>>) offsets(%dma_start3A_204 : memref<128xi32, #tpu.memory_space<vmem>>) semaphore(%arg11 : memref<!tpu.dma_semaphore, #tpu.memory_space<semaphore_mem>>)
      %add3A_212 = arith.constant 1 : i32
      %add3A_213 = arith.addi %add3A_121, %add3A_212 : i32
      %dma_wait3A_214 = arith.constant 1 : i32
      %dma_wait3A_215 = arith.constant 0 : i32
      %dma_wait3A_216 = arith.constant 0 : i32
      %dma_wait3A_217 = tpu.memref_slice %arg9[%dma_wait3A_214, %dma_wait3A_215, %dma_wait3A_216] : memref<2x128x128xf32, #tpu.memory_space<vmem>> -> memref<1x128x128xf32, #tpu.memory_space<vmem>>
      %dma_wait3A_218 = tpu.memref_squeeze %dma_wait3A_217 : memref<1x128x128xf32, #tpu.memory_space<vmem>> -> memref<128x128xf32, #tpu.memory_space<vmem>>
      %dma_wait3A_219 = arith.constant 0 : i32
      %dma_wait3A_220 = tpu.memref_slice %arg8[%add3A_213, %dma_wait3A_219] : memref<80x128xi32, #tpu.memory_space<vmem>> -> memref<1x128xi32, #tpu.memory_space<vmem>>
      %dma_wait3A_221 = tpu.memref_squeeze %dma_wait3A_220 : memref<1x128xi32, #tpu.memory_space<vmem>> -> memref<128xi32, #tpu.memory_space<vmem>>
      %dma_wait3A_222 = arith.constant 0 : i32
      %dma_wait3A_223 = arith.constant 0 : i32
      %dma_wait3A_224 = tpu.memref_slice %arg10[%dma_wait3A_222, %dma_wait3A_223] : memref<10240x128xf32, #tpu.memory_space<vmem_shared>> -> memref<10240x128xf32, #tpu.memory_space<vmem_shared>>
      tpu.wait_indirect_dma semaphore(%arg14 : memref<!tpu.dma_semaphore, #tpu.memory_space<semaphore_mem>>) src(%dma_wait3A_218 : memref<128x128xf32, #tpu.memory_space<vmem>>) dst(%dma_wait3A_224 : memref<10240x128xf32, #tpu.memory_space<vmem_shared>>)
      %dma_start3A_225 = arith.constant 1 : i32
      %dma_start3A_226 = arith.constant 1 : i32
      %dma_start3A_227 = arith.constant 0 : i32
      %dma_start3A_228 = arith.constant 0 : i32
      %dma_start3A_229 = tpu.memref_slice %arg9[%dma_start3A_226, %dma_start3A_227, %dma_start3A_228] : memref<2x128x128xf32, #tpu.memory_space<vmem>> -> memref<1x128x128xf32, #tpu.memory_space<vmem>>
      %dma_start3A_230 = tpu.memref_squeeze %dma_start3A_229 : memref<1x128x128xf32, #tpu.memory_space<vmem>> -> memref<128x128xf32, #tpu.memory_space<vmem>>
      %dma_start3A_231 = arith.constant 0 : i32
      %dma_start3A_232 = tpu.memref_slice %arg7[%dma_start3A_225, %dma_start3A_231] : memref<2x128xi32, #tpu.memory_space<vmem>> -> memref<1x128xi32, #tpu.memory_space<vmem>>
      %dma_start3A_233 = tpu.memref_squeeze %dma_start3A_232 : memref<1x128xi32, #tpu.memory_space<vmem>> -> memref<128xi32, #tpu.memory_space<vmem>>
      %dma_start3A_234 = arith.constant 0 : i32
      %dma_start3A_235 = arith.constant 0 : i32
      %dma_start3A_236 = tpu.memref_slice %arg2[%arg0, %dma_start3A_234, %dma_start3A_235] : memref<2x10000x128xf32, #tpu.memory_space<hbm>> -> memref<1x10000x128xf32, #tpu.memory_space<hbm>>
      %dma_start3A_237 = tpu.memref_squeeze %dma_start3A_236 : memref<1x10000x128xf32, #tpu.memory_space<hbm>> -> memref<10000x128xf32, #tpu.memory_space<hbm>>
      %dma_start3A_238 = arith.constant 0 : i32
      %dma_start3A_239 = arith.constant 0 : i32
      %dma_start3A_240 = tpu.memref_slice %dma_start3A_237[%dma_start3A_238, %dma_start3A_239] : memref<10000x128xf32, #tpu.memory_space<hbm>> -> memref<10000x128xf32, #tpu.memory_space<hbm>>
      tpu.enqueue_indirect_dma source(%dma_start3A_240 : memref<10000x128xf32, #tpu.memory_space<hbm>>) target(%dma_start3A_230 : memref<128x128xf32, #tpu.memory_space<vmem>>) offsets(%dma_start3A_233 : memref<128xi32, #tpu.memory_space<vmem>>) semaphore(%arg12 : memref<!tpu.dma_semaphore, #tpu.memory_space<semaphore_mem>>)
    }
    %scan3A_37 = arith.constant 39 : i32
    %dma_wait3A = arith.constant 0 : i32
    %dma_wait3A_38 = arith.constant 0 : i32
    %dma_wait3A_39 = arith.constant 0 : i32
    %dma_wait3A_40 = arith.constant 0 : i32
    %dma_wait3A_41 = tpu.memref_slice %arg9[%dma_wait3A_38, %dma_wait3A_39, %dma_wait3A_40] : memref<2x128x128xf32, #tpu.memory_space<vmem>> -> memref<1x128x128xf32, #tpu.memory_space<vmem>>
    %dma_wait3A_42 = tpu.memref_squeeze %dma_wait3A_41 : memref<1x128x128xf32, #tpu.memory_space<vmem>> -> memref<128x128xf32, #tpu.memory_space<vmem>>
    %dma_wait3A_43 = arith.constant 0 : i32
    %dma_wait3A_44 = tpu.memref_slice %arg7[%dma_wait3A, %dma_wait3A_43] : memref<2x128xi32, #tpu.memory_space<vmem>> -> memref<1x128xi32, #tpu.memory_space<vmem>>
    %dma_wait3A_45 = tpu.memref_squeeze %dma_wait3A_44 : memref<1x128xi32, #tpu.memory_space<vmem>> -> memref<128xi32, #tpu.memory_space<vmem>>
    %dma_wait3A_46 = arith.constant 0 : i32
    %dma_wait3A_47 = arith.constant 0 : i32
    %dma_wait3A_48 = tpu.memref_slice %arg2[%arg0, %dma_wait3A_46, %dma_wait3A_47] : memref<2x10000x128xf32, #tpu.memory_space<hbm>> -> memref<1x10000x128xf32, #tpu.memory_space<hbm>>
    %dma_wait3A_49 = tpu.memref_squeeze %dma_wait3A_48 : memref<1x10000x128xf32, #tpu.memory_space<hbm>> -> memref<10000x128xf32, #tpu.memory_space<hbm>>
    %dma_wait3A_50 = arith.constant 0 : i32
    %dma_wait3A_51 = arith.constant 0 : i32
    %dma_wait3A_52 = tpu.memref_slice %dma_wait3A_49[%dma_wait3A_50, %dma_wait3A_51] : memref<10000x128xf32, #tpu.memory_space<hbm>> -> memref<10000x128xf32, #tpu.memory_space<hbm>>
    tpu.wait_indirect_dma semaphore(%arg11 : memref<!tpu.dma_semaphore, #tpu.memory_space<semaphore_mem>>) src(%dma_wait3A_52 : memref<10000x128xf32, #tpu.memory_space<hbm>>) dst(%dma_wait3A_42 : memref<128x128xf32, #tpu.memory_space<vmem>>)
    %dma_start3A_53 = arith.constant 0 : i32
    %dma_start3A_54 = arith.constant 78 : i32
    %dma_start3A_55 = arith.constant 0 : i32
    %dma_start3A_56 = arith.constant 0 : i32
    %dma_start3A_57 = tpu.memref_slice %arg9[%dma_start3A_53, %dma_start3A_55, %dma_start3A_56] : memref<2x128x128xf32, #tpu.memory_space<vmem>> -> memref<1x128x128xf32, #tpu.memory_space<vmem>>
    %dma_start3A_58 = tpu.memref_squeeze %dma_start3A_57 : memref<1x128x128xf32, #tpu.memory_space<vmem>> -> memref<128x128xf32, #tpu.memory_space<vmem>>
    %dma_start3A_59 = arith.constant 0 : i32
    %dma_start3A_60 = tpu.memref_slice %arg8[%dma_start3A_54, %dma_start3A_59] : memref<80x128xi32, #tpu.memory_space<vmem>> -> memref<1x128xi32, #tpu.memory_space<vmem>>
    %dma_start3A_61 = tpu.memref_squeeze %dma_start3A_60 : memref<1x128xi32, #tpu.memory_space<vmem>> -> memref<128xi32, #tpu.memory_space<vmem>>
    %dma_start3A_62 = arith.constant 0 : i32
    %dma_start3A_63 = arith.constant 0 : i32
    %dma_start3A_64 = tpu.memref_slice %arg10[%dma_start3A_62, %dma_start3A_63] : memref<10240x128xf32, #tpu.memory_space<vmem_shared>> -> memref<10240x128xf32, #tpu.memory_space<vmem_shared>>
    tpu.enqueue_indirect_dma source(%dma_start3A_58 : memref<128x128xf32, #tpu.memory_space<vmem>>) target(%dma_start3A_64 : memref<10240x128xf32, #tpu.memory_space<vmem_shared>>) offsets(%dma_start3A_61 : memref<128xi32, #tpu.memory_space<vmem>>) semaphore(%arg13 : memref<!tpu.dma_semaphore, #tpu.memory_space<semaphore_mem>>) {add = true}
    %dma_wait3A_65 = arith.constant 1 : i32
    %dma_wait3A_66 = arith.constant 1 : i32
    %dma_wait3A_67 = arith.constant 0 : i32
    %dma_wait3A_68 = arith.constant 0 : i32
    %dma_wait3A_69 = tpu.memref_slice %arg9[%dma_wait3A_66, %dma_wait3A_67, %dma_wait3A_68] : memref<2x128x128xf32, #tpu.memory_space<vmem>> -> memref<1x128x128xf32, #tpu.memory_space<vmem>>
    %dma_wait3A_70 = tpu.memref_squeeze %dma_wait3A_69 : memref<1x128x128xf32, #tpu.memory_space<vmem>> -> memref<128x128xf32, #tpu.memory_space<vmem>>
    %dma_wait3A_71 = arith.constant 0 : i32
    %dma_wait3A_72 = tpu.memref_slice %arg7[%dma_wait3A_65, %dma_wait3A_71] : memref<2x128xi32, #tpu.memory_space<vmem>> -> memref<1x128xi32, #tpu.memory_space<vmem>>
    %dma_wait3A_73 = tpu.memref_squeeze %dma_wait3A_72 : memref<1x128xi32, #tpu.memory_space<vmem>> -> memref<128xi32, #tpu.memory_space<vmem>>
    %dma_wait3A_74 = arith.constant 0 : i32
    %dma_wait3A_75 = arith.constant 0 : i32
    %dma_wait3A_76 = tpu.memref_slice %arg2[%arg0, %dma_wait3A_74, %dma_wait3A_75] : memref<2x10000x128xf32, #tpu.memory_space<hbm>> -> memref<1x10000x128xf32, #tpu.memory_space<hbm>>
    %dma_wait3A_77 = tpu.memref_squeeze %dma_wait3A_76 : memref<1x10000x128xf32, #tpu.memory_space<hbm>> -> memref<10000x128xf32, #tpu.memory_space<hbm>>
    %dma_wait3A_78 = arith.constant 0 : i32
    %dma_wait3A_79 = arith.constant 0 : i32
    %dma_wait3A_80 = tpu.memref_slice %dma_wait3A_77[%dma_wait3A_78, %dma_wait3A_79] : memref<10000x128xf32, #tpu.memory_space<hbm>> -> memref<10000x128xf32, #tpu.memory_space<hbm>>
    tpu.wait_indirect_dma semaphore(%arg12 : memref<!tpu.dma_semaphore, #tpu.memory_space<semaphore_mem>>) src(%dma_wait3A_80 : memref<10000x128xf32, #tpu.memory_space<hbm>>) dst(%dma_wait3A_70 : memref<128x128xf32, #tpu.memory_space<vmem>>)
    %dma_start3A_81 = arith.constant 1 : i32
    %dma_start3A_82 = arith.constant 79 : i32
    %dma_start3A_83 = arith.constant 0 : i32
    %dma_start3A_84 = arith.constant 0 : i32
    %dma_start3A_85 = tpu.memref_slice %arg9[%dma_start3A_81, %dma_start3A_83, %dma_start3A_84] : memref<2x128x128xf32, #tpu.memory_space<vmem>> -> memref<1x128x128xf32, #tpu.memory_space<vmem>>
    %dma_start3A_86 = tpu.memref_squeeze %dma_start3A_85 : memref<1x128x128xf32, #tpu.memory_space<vmem>> -> memref<128x128xf32, #tpu.memory_space<vmem>>
    %dma_start3A_87 = arith.constant 0 : i32
    %dma_start3A_88 = tpu.memref_slice %arg8[%dma_start3A_82, %dma_start3A_87] : memref<80x128xi32, #tpu.memory_space<vmem>> -> memref<1x128xi32, #tpu.memory_space<vmem>>
    %dma_start3A_89 = tpu.memref_squeeze %dma_start3A_88 : memref<1x128xi32, #tpu.memory_space<vmem>> -> memref<128xi32, #tpu.memory_space<vmem>>
    %dma_start3A_90 = arith.constant 0 : i32
    %dma_start3A_91 = arith.constant 0 : i32
    %dma_start3A_92 = tpu.memref_slice %arg10[%dma_start3A_90, %dma_start3A_91] : memref<10240x128xf32, #tpu.memory_space<vmem_shared>> -> memref<10240x128xf32, #tpu.memory_space<vmem_shared>>
    tpu.enqueue_indirect_dma source(%dma_start3A_86 : memref<128x128xf32, #tpu.memory_space<vmem>>) target(%dma_start3A_92 : memref<10240x128xf32, #tpu.memory_space<vmem_shared>>) offsets(%dma_start3A_89 : memref<128xi32, #tpu.memory_space<vmem>>) semaphore(%arg14 : memref<!tpu.dma_semaphore, #tpu.memory_space<semaphore_mem>>) {add = true}
    %dma_wait3A_93 = arith.constant 0 : i32
    %dma_wait3A_94 = arith.constant 78 : i32
    %dma_wait3A_95 = arith.constant 0 : i32
    %dma_wait3A_96 = arith.constant 0 : i32
    %dma_wait3A_97 = tpu.memref_slice %arg9[%dma_wait3A_93, %dma_wait3A_95, %dma_wait3A_96] : memref<2x128x128xf32, #tpu.memory_space<vmem>> -> memref<1x128x128xf32, #tpu.memory_space<vmem>>
    %dma_wait3A_98 = tpu.memref_squeeze %dma_wait3A_97 : memref<1x128x128xf32, #tpu.memory_space<vmem>> -> memref<128x128xf32, #tpu.memory_space<vmem>>
    %dma_wait3A_99 = arith.constant 0 : i32
    %dma_wait3A_100 = tpu.memref_slice %arg8[%dma_wait3A_94, %dma_wait3A_99] : memref<80x128xi32, #tpu.memory_space<vmem>> -> memref<1x128xi32, #tpu.memory_space<vmem>>
    %dma_wait3A_101 = tpu.memref_squeeze %dma_wait3A_100 : memref<1x128xi32, #tpu.memory_space<vmem>> -> memref<128xi32, #tpu.memory_space<vmem>>
    %dma_wait3A_102 = arith.constant 0 : i32
    %dma_wait3A_103 = arith.constant 0 : i32
    %dma_wait3A_104 = tpu.memref_slice %arg10[%dma_wait3A_102, %dma_wait3A_103] : memref<10240x128xf32, #tpu.memory_space<vmem_shared>> -> memref<10240x128xf32, #tpu.memory_space<vmem_shared>>
    tpu.wait_indirect_dma semaphore(%arg13 : memref<!tpu.dma_semaphore, #tpu.memory_space<semaphore_mem>>) src(%dma_wait3A_98 : memref<128x128xf32, #tpu.memory_space<vmem>>) dst(%dma_wait3A_104 : memref<10240x128xf32, #tpu.memory_space<vmem_shared>>)
    %dma_wait3A_105 = arith.constant 1 : i32
    %dma_wait3A_106 = arith.constant 79 : i32
    %dma_wait3A_107 = arith.constant 0 : i32
    %dma_wait3A_108 = arith.constant 0 : i32
    %dma_wait3A_109 = tpu.memref_slice %arg9[%dma_wait3A_105, %dma_wait3A_107, %dma_wait3A_108] : memref<2x128x128xf32, #tpu.memory_space<vmem>> -> memref<1x128x128xf32, #tpu.memory_space<vmem>>
    %dma_wait3A_110 = tpu.memref_squeeze %dma_wait3A_109 : memref<1x128x128xf32, #tpu.memory_space<vmem>> -> memref<128x128xf32, #tpu.memory_space<vmem>>
    %dma_wait3A_111 = arith.constant 0 : i32
    %dma_wait3A_112 = tpu.memref_slice %arg8[%dma_wait3A_106, %dma_wait3A_111] : memref<80x128xi32, #tpu.memory_space<vmem>> -> memref<1x128xi32, #tpu.memory_space<vmem>>
    %dma_wait3A_113 = tpu.memref_squeeze %dma_wait3A_112 : memref<1x128xi32, #tpu.memory_space<vmem>> -> memref<128xi32, #tpu.memory_space<vmem>>
    %dma_wait3A_114 = arith.constant 0 : i32
    %dma_wait3A_115 = arith.constant 0 : i32
    %dma_wait3A_116 = tpu.memref_slice %arg10[%dma_wait3A_114, %dma_wait3A_115] : memref<10240x128xf32, #tpu.memory_space<vmem_shared>> -> memref<10240x128xf32, #tpu.memory_space<vmem_shared>>
    tpu.wait_indirect_dma semaphore(%arg14 : memref<!tpu.dma_semaphore, #tpu.memory_space<semaphore_mem>>) src(%dma_wait3A_110 : memref<128x128xf32, #tpu.memory_space<vmem>>) dst(%dma_wait3A_116 : memref<10240x128xf32, #tpu.memory_space<vmem_shared>>)
    %barrier3A_117 = arith.constant 0 : index
    tpu.barrier barrier_id(%barrier3A_117)
    "tpu.region"() ({
      %run_scoped3A = tpu.sem_alloc : memref<!tpu.dma_semaphore, #tpu.memory_space<semaphore_mem>>
      %dma_start3A_118 = arith.constant 0 : i32
      %dma_start3A_119 = arith.constant 0 : i32
      %dma_start3A_120 = tpu.memref_slice %arg6[%arg0, %dma_start3A_118, %dma_start3A_119] : memref<2x10240x128xf32, #tpu.memory_space<hbm>> -> memref<1x10240x128xf32, #tpu.memory_space<hbm>>
      %dma_start3A_121 = tpu.memref_squeeze %dma_start3A_120 : memref<1x10240x128xf32, #tpu.memory_space<hbm>> -> memref<10240x128xf32, #tpu.memory_space<hbm>>
      %dma_start3A_122 = arith.constant 0 : i32
      %dma_start3A_123 = tpu.memref_slice %dma_start3A_121[%mul3A_0, %dma_start3A_122] : memref<10240x128xf32, #tpu.memory_space<hbm>> -> memref<640x128xf32, #tpu.memory_space<hbm>>
      %dma_start3A_124 = arith.constant 0 : i32
      %dma_start3A_125 = tpu.memref_slice %arg10[%mul3A_0, %dma_start3A_124] : memref<10240x128xf32, #tpu.memory_space<vmem_shared>> -> memref<640x128xf32, #tpu.memory_space<vmem_shared>>
      tpu.enqueue_dma source(%dma_start3A_125 : memref<640x128xf32, #tpu.memory_space<vmem_shared>>) target(%dma_start3A_123 : memref<640x128xf32, #tpu.memory_space<hbm>>) target_semaphore(%run_scoped3A : memref<!tpu.dma_semaphore, #tpu.memory_space<semaphore_mem>>)
      %dma_wait3A_126 = arith.constant 0 : i32
      %dma_wait3A_127 = arith.constant 0 : i32
      %dma_wait3A_128 = tpu.memref_slice %arg6[%arg0, %dma_wait3A_126, %dma_wait3A_127] : memref<2x10240x128xf32, #tpu.memory_space<hbm>> -> memref<1x10240x128xf32, #tpu.memory_space<hbm>>
      %dma_wait3A_129 = tpu.memref_squeeze %dma_wait3A_128 : memref<1x10240x128xf32, #tpu.memory_space<hbm>> -> memref<10240x128xf32, #tpu.memory_space<hbm>>
      %dma_wait3A_130 = arith.constant 0 : i32
      %dma_wait3A_131 = tpu.memref_slice %dma_wait3A_129[%mul3A_0, %dma_wait3A_130] : memref<10240x128xf32, #tpu.memory_space<hbm>> -> memref<640x128xf32, #tpu.memory_space<hbm>>
      %dma_wait3A_132 = arith.constant 0 : i32
      %dma_wait3A_133 = tpu.memref_slice %arg10[%mul3A_0, %dma_wait3A_132] : memref<10240x128xf32, #tpu.memory_space<vmem_shared>> -> memref<640x128xf32, #tpu.memory_space<vmem_shared>>
      tpu.wait_dma2 semaphore(%run_scoped3A : memref<!tpu.dma_semaphore, #tpu.memory_space<semaphore_mem>>) src(%dma_wait3A_133 : memref<640x128xf32, #tpu.memory_space<vmem_shared>>) dst(%dma_wait3A_131 : memref<640x128xf32, #tpu.memory_space<hbm>>)
      tpu.yield
    }) : () -> ()
    return
  }
}

#map = affine_map<(d0, d1) -> (0)>
#map1 = affine_map<(d0, d1) -> (0, 0)>
#map2 = affine_map<(d0, d1) -> (0, 0, 0)>
module attributes {stable_mosaic.version = 14 : i64} {
  func.func @_deg_kernel(%arg0: i32, %arg1: i32, %arg2: memref<163840xi32, #tpu.memory_space<hbm>>, %arg3: memref<10240x128xf32, #tpu.memory_space<hbm>>, %arg4: memref<2x80x128xf32, #tpu.memory_space<hbm>>, %arg5: memref<5120xi32, #tpu.memory_space<vmem>>, %arg6: memref<80x128xf32, #tpu.memory_space<vmem>>, %arg7: memref<80xi32, #tpu.memory_space<vmem>>, %arg8: memref<80x128xf32, #tpu.memory_space<vmem_shared>>) attributes {dimension_semantics = [#tpu.dimension_semantics<core_parallel>, #tpu.dimension_semantics<subcore_parallel>], iteration_bounds = array<i64: 2, 16>, scalar_prefetch = 0 : i64, scratch_operands = 4 : i64, tpu.core_type = #tpu.core_type<sc_vector_subcore>, window_params = [{transform_indices = #map}, {transform_indices = #map1}, {transform_indices = #map2}]} {
    %mul3A = arith.constant 16 : i32
    %mul3A_0 = arith.muli %arg0, %mul3A : i32
    %add3A = arith.addi %mul3A_0, %arg1 : i32
    %mul3A_1 = arith.constant 5120 : i32
    %mul3A_2 = arith.muli %add3A, %mul3A_1 : i32
    "tpu.region"() ({
      %run_scoped3A = tpu.sem_alloc : memref<!tpu.dma_semaphore, #tpu.memory_space<semaphore_mem>>
      %dma_start3A = tpu.memref_slice %arg2[%mul3A_2] : memref<163840xi32, #tpu.memory_space<hbm>> -> memref<5120xi32, #tpu.memory_space<hbm>>
      %dma_start3A_21 = tpu.memref_slice %arg2[%mul3A_2] : memref<163840xi32, #tpu.memory_space<hbm>> -> memref<5120xi32, #tpu.memory_space<hbm>>
      tpu.enqueue_dma source(%dma_start3A_21 : memref<5120xi32, #tpu.memory_space<hbm>>) target(%arg5 : memref<5120xi32, #tpu.memory_space<vmem>>) target_semaphore(%run_scoped3A : memref<!tpu.dma_semaphore, #tpu.memory_space<semaphore_mem>>)
      %dma_wait3A = tpu.memref_slice %arg2[%mul3A_2] : memref<163840xi32, #tpu.memory_space<hbm>> -> memref<5120xi32, #tpu.memory_space<hbm>>
      %dma_wait3A_22 = tpu.memref_slice %arg2[%mul3A_2] : memref<163840xi32, #tpu.memory_space<hbm>> -> memref<5120xi32, #tpu.memory_space<hbm>>
      tpu.wait_dma2 semaphore(%run_scoped3A : memref<!tpu.dma_semaphore, #tpu.memory_space<semaphore_mem>>) src(%dma_wait3A_22 : memref<5120xi32, #tpu.memory_space<hbm>>) dst(%arg5 : memref<5120xi32, #tpu.memory_space<vmem>>)
      tpu.yield
    }) : () -> ()
    "tpu.region"() ({
      %run_scoped3A = tpu.sem_alloc : memref<!tpu.dma_semaphore, #tpu.memory_space<semaphore_mem>>
      %dma_start3A = arith.constant 0 : i32
      %dma_start3A_21 = arith.constant 0 : i32
      %dma_start3A_22 = tpu.memref_slice %arg3[%dma_start3A, %dma_start3A_21] : memref<10240x128xf32, #tpu.memory_space<hbm>> -> memref<80x128xf32, #tpu.memory_space<hbm>>
      %dma_start3A_23 = arith.constant 0 : i32
      %dma_start3A_24 = arith.constant 0 : i32
      %dma_start3A_25 = tpu.memref_slice %arg3[%dma_start3A_23, %dma_start3A_24] : memref<10240x128xf32, #tpu.memory_space<hbm>> -> memref<80x128xf32, #tpu.memory_space<hbm>>
      tpu.enqueue_dma source(%dma_start3A_25 : memref<80x128xf32, #tpu.memory_space<hbm>>) target(%arg6 : memref<80x128xf32, #tpu.memory_space<vmem>>) target_semaphore(%run_scoped3A : memref<!tpu.dma_semaphore, #tpu.memory_space<semaphore_mem>>)
      %dma_wait3A = arith.constant 0 : i32
      %dma_wait3A_26 = arith.constant 0 : i32
      %dma_wait3A_27 = tpu.memref_slice %arg3[%dma_wait3A, %dma_wait3A_26] : memref<10240x128xf32, #tpu.memory_space<hbm>> -> memref<80x128xf32, #tpu.memory_space<hbm>>
      %dma_wait3A_28 = arith.constant 0 : i32
      %dma_wait3A_29 = arith.constant 0 : i32
      %dma_wait3A_30 = tpu.memref_slice %arg3[%dma_wait3A_28, %dma_wait3A_29] : memref<10240x128xf32, #tpu.memory_space<hbm>> -> memref<80x128xf32, #tpu.memory_space<hbm>>
      tpu.wait_dma2 semaphore(%run_scoped3A : memref<!tpu.dma_semaphore, #tpu.memory_space<semaphore_mem>>) src(%dma_wait3A_30 : memref<80x128xf32, #tpu.memory_space<hbm>>) dst(%arg6 : memref<80x128xf32, #tpu.memory_space<vmem>>)
      tpu.yield
    }) : () -> ()
    %lt3A = arith.constant 10 : i32
    %lt3A_3 = arith.cmpi slt, %arg1, %lt3A : i32
    %convert_element_type3A = arith.extui %lt3A_3 : i1 to i32
    %cond3A = arith.constant 0 : i32
    %cond3A_4 = arith.cmpi ne, %convert_element_type3A, %cond3A : i32
    scf.if %cond3A_4 {
      %mul3A_21 = arith.constant 8 : i32
      %mul3A_22 = arith.muli %arg1, %mul3A_21 : i32
      %mul3A_23 = arith.constant 8 : i32
      %mul3A_24 = arith.muli %arg1, %mul3A_23 : i32
      "tpu.region"() ({
        %run_scoped3A = tpu.sem_alloc : memref<!tpu.dma_semaphore, #tpu.memory_space<semaphore_mem>>
        %dma_start3A = arith.constant 0 : i32
        %dma_start3A_25 = tpu.memref_slice %arg8[%mul3A_24, %dma_start3A] : memref<80x128xf32, #tpu.memory_space<vmem_shared>> -> memref<8x128xf32, #tpu.memory_space<vmem_shared>>
        %dma_start3A_26 = arith.constant 0 : i32
        %dma_start3A_27 = tpu.memref_slice %arg3[%mul3A_22, %dma_start3A_26] : memref<10240x128xf32, #tpu.memory_space<hbm>> -> memref<8x128xf32, #tpu.memory_space<hbm>>
        tpu.enqueue_dma source(%dma_start3A_27 : memref<8x128xf32, #tpu.memory_space<hbm>>) target(%dma_start3A_25 : memref<8x128xf32, #tpu.memory_space<vmem_shared>>) target_semaphore(%run_scoped3A : memref<!tpu.dma_semaphore, #tpu.memory_space<semaphore_mem>>)
        %dma_wait3A = arith.constant 0 : i32
        %dma_wait3A_28 = tpu.memref_slice %arg8[%mul3A_24, %dma_wait3A] : memref<80x128xf32, #tpu.memory_space<vmem_shared>> -> memref<8x128xf32, #tpu.memory_space<vmem_shared>>
        %dma_wait3A_29 = arith.constant 0 : i32
        %dma_wait3A_30 = tpu.memref_slice %arg3[%mul3A_22, %dma_wait3A_29] : memref<10240x128xf32, #tpu.memory_space<hbm>> -> memref<8x128xf32, #tpu.memory_space<hbm>>
        tpu.wait_dma2 semaphore(%run_scoped3A : memref<!tpu.dma_semaphore, #tpu.memory_space<semaphore_mem>>) src(%dma_wait3A_30 : memref<8x128xf32, #tpu.memory_space<hbm>>) dst(%dma_wait3A_28 : memref<8x128xf32, #tpu.memory_space<vmem_shared>>)
        tpu.yield
      }) : () -> ()
    } else {
    }
    %scan3A = arith.constant 0 : i32
    %scan3A_5 = arith.constant 5 : i32
    %scan3A_6 = arith.addi %scan3A, %scan3A_5 : i32
    %scan3A_7 = arith.constant 1 : i32
    scf.for %scan3A_21 = %scan3A to %scan3A_6 step %scan3A_7  : i32 {
      %mul3A_22 = arith.constant 16 : i32
      %mul3A_23 = arith.muli %scan3A_21, %mul3A_22 : i32
      %add3A_24 = arith.constant 0 : i32
      %add3A_25 = arith.addi %add3A_24, %mul3A_23 : i32
      %iota3A = tpu.iota {dimensions = array<i32: 0>} : vector<16xi32>
      %add3A_26 = vector.broadcast %add3A_25 : i32 to vector<16xi32>
      %add3A_27 = arith.addi %iota3A, %add3A_26 : vector<16xi32>
      %swap3A = arith.index_cast %add3A_25 : i32 to index
      %swap3A_28 = tpu.vector_load %arg7[%swap3A] {strides = array<i32>} : memref<80xi32, #tpu.memory_space<vmem>>, vector<16xi32>,
      tpu.vector_store %arg7[%swap3A], %add3A_27 {strides = array<i32>} : memref<80xi32, #tpu.memory_space<vmem>>, vector<16xi32>,
    }
    %scan3A_8 = arith.constant 5 : i32
    %broadcast_in_dim3A = arith.constant 1.000000e+00 : f32
    %broadcast_in_dim3A_9 = vector.broadcast %broadcast_in_dim3A : f32 to vector<16xf32>
    %scan3A_10 = arith.constant 0 : i32
    %scan3A_11 = arith.constant 320 : i32
    %scan3A_12 = arith.addi %scan3A_10, %scan3A_11 : i32
    %scan3A_13 = arith.constant 1 : i32
    scf.for %scan3A_21 = %scan3A_10 to %scan3A_12 step %scan3A_13  : i32 {
      %mul3A_22 = arith.constant 16 : i32
      %mul3A_23 = arith.muli %scan3A_21, %mul3A_22 : i32
      %add3A_24 = arith.constant 0 : i32
      %add3A_25 = arith.addi %add3A_24, %mul3A_23 : i32
      %get3A = arith.index_cast %add3A_25 : i32 to index
      %get3A_26 = tpu.vector_load %arg5[%get3A] {strides = array<i32>} : memref<5120xi32, #tpu.memory_space<vmem>>, vector<16xi32>,
      %shift_right_arithmetic3A = arith.constant 7 : i32
      %shift_right_arithmetic3A_27 = vector.broadcast %shift_right_arithmetic3A : i32 to vector<16xi32>
      %shift_right_arithmetic3A_28 = arith.shrsi %get3A_26, %shift_right_arithmetic3A_27 : vector<16xi32>
      %and3A = arith.constant 127 : i32
      %and3A_29 = vector.broadcast %and3A : i32 to vector<16xi32>
      %and3A_30 = arith.andi %get3A_26, %and3A_29 : vector<16xi32>
      tpu.vector_store_idx %arg6[%shift_right_arithmetic3A_28, %and3A_30], %broadcast_in_dim3A_9 {add = true} : memref<80x128xf32, #tpu.memory_space<vmem>>[vector<16xi32>, vector<16xi32>], vector<16xf32>,
    }
    %scan3A_14 = arith.constant 320 : i32
    %barrier3A = arith.constant 0 : index
    tpu.barrier barrier_id(%barrier3A)
    "tpu.region"() ({
      %run_scoped3A = tpu.sem_alloc : memref<!tpu.dma_semaphore, #tpu.memory_space<semaphore_mem>>
      %dma_start3A = arith.constant 0 : i32
      %dma_start3A_21 = arith.constant 0 : i32
      %dma_start3A_22 = tpu.memref_slice %arg8[%dma_start3A, %dma_start3A_21] : memref<80x128xf32, #tpu.memory_space<vmem_shared>> -> memref<80x128xf32, #tpu.memory_space<vmem_shared>>
      tpu.enqueue_indirect_dma source(%arg6 : memref<80x128xf32, #tpu.memory_space<vmem>>) target(%dma_start3A_22 : memref<80x128xf32, #tpu.memory_space<vmem_shared>>) offsets(%arg7 : memref<80xi32, #tpu.memory_space<vmem>>) semaphore(%run_scoped3A : memref<!tpu.dma_semaphore, #tpu.memory_space<semaphore_mem>>) {add = true}
      %dma_wait3A = arith.constant 0 : i32
      %dma_wait3A_23 = arith.constant 0 : i32
      %dma_wait3A_24 = tpu.memref_slice %arg8[%dma_wait3A, %dma_wait3A_23] : memref<80x128xf32, #tpu.memory_space<vmem_shared>> -> memref<80x128xf32, #tpu.memory_space<vmem_shared>>
      tpu.wait_indirect_dma semaphore(%run_scoped3A : memref<!tpu.dma_semaphore, #tpu.memory_space<semaphore_mem>>) src(%arg6 : memref<80x128xf32, #tpu.memory_space<vmem>>) dst(%dma_wait3A_24 : memref<80x128xf32, #tpu.memory_space<vmem_shared>>)
      tpu.yield
    }) : () -> ()
    %barrier3A_15 = arith.constant 0 : index
    tpu.barrier barrier_id(%barrier3A_15)
    %lt3A_16 = arith.constant 10 : i32
    %lt3A_17 = arith.cmpi slt, %arg1, %lt3A_16 : i32
    %convert_element_type3A_18 = arith.extui %lt3A_17 : i1 to i32
    %cond3A_19 = arith.constant 0 : i32
    %cond3A_20 = arith.cmpi ne, %convert_element_type3A_18, %cond3A_19 : i32
    scf.if %cond3A_20 {
      %mul3A_21 = arith.constant 8 : i32
      %mul3A_22 = arith.muli %arg1, %mul3A_21 : i32
      %mul3A_23 = arith.constant 8 : i32
      %mul3A_24 = arith.muli %arg1, %mul3A_23 : i32
      "tpu.region"() ({
        %run_scoped3A = tpu.sem_alloc : memref<!tpu.dma_semaphore, #tpu.memory_space<semaphore_mem>>
        %dma_start3A = arith.constant 0 : i32
        %dma_start3A_25 = arith.constant 0 : i32
        %dma_start3A_26 = tpu.memref_slice %arg4[%arg0, %dma_start3A, %dma_start3A_25] : memref<2x80x128xf32, #tpu.memory_space<hbm>> -> memref<1x80x128xf32, #tpu.memory_space<hbm>>
        %dma_start3A_27 = tpu.memref_squeeze %dma_start3A_26 : memref<1x80x128xf32, #tpu.memory_space<hbm>> -> memref<80x128xf32, #tpu.memory_space<hbm>>
        %dma_start3A_28 = arith.constant 0 : i32
        %dma_start3A_29 = tpu.memref_slice %dma_start3A_27[%mul3A_24, %dma_start3A_28] : memref<80x128xf32, #tpu.memory_space<hbm>> -> memref<8x128xf32, #tpu.memory_space<hbm>>
        %dma_start3A_30 = arith.constant 0 : i32
        %dma_start3A_31 = tpu.memref_slice %arg8[%mul3A_22, %dma_start3A_30] : memref<80x128xf32, #tpu.memory_space<vmem_shared>> -> memref<8x128xf32, #tpu.memory_space<vmem_shared>>
        tpu.enqueue_dma source(%dma_start3A_31 : memref<8x128xf32, #tpu.memory_space<vmem_shared>>) target(%dma_start3A_29 : memref<8x128xf32, #tpu.memory_space<hbm>>) target_semaphore(%run_scoped3A : memref<!tpu.dma_semaphore, #tpu.memory_space<semaphore_mem>>)
        %dma_wait3A = arith.constant 0 : i32
        %dma_wait3A_32 = arith.constant 0 : i32
        %dma_wait3A_33 = tpu.memref_slice %arg4[%arg0, %dma_wait3A, %dma_wait3A_32] : memref<2x80x128xf32, #tpu.memory_space<hbm>> -> memref<1x80x128xf32, #tpu.memory_space<hbm>>
        %dma_wait3A_34 = tpu.memref_squeeze %dma_wait3A_33 : memref<1x80x128xf32, #tpu.memory_space<hbm>> -> memref<80x128xf32, #tpu.memory_space<hbm>>
        %dma_wait3A_35 = arith.constant 0 : i32
        %dma_wait3A_36 = tpu.memref_slice %dma_wait3A_34[%mul3A_24, %dma_wait3A_35] : memref<80x128xf32, #tpu.memory_space<hbm>> -> memref<8x128xf32, #tpu.memory_space<hbm>>
        %dma_wait3A_37 = arith.constant 0 : i32
        %dma_wait3A_38 = tpu.memref_slice %arg8[%mul3A_22, %dma_wait3A_37] : memref<80x128xf32, #tpu.memory_space<vmem_shared>> -> memref<8x128xf32, #tpu.memory_space<vmem_shared>>
        tpu.wait_dma2 semaphore(%run_scoped3A : memref<!tpu.dma_semaphore, #tpu.memory_space<semaphore_mem>>) src(%dma_wait3A_38 : memref<8x128xf32, #tpu.memory_space<vmem_shared>>) dst(%dma_wait3A_36 : memref<8x128xf32, #tpu.memory_space<hbm>>)
        tpu.yield
      }) : () -> ()
    } else {
    }
    return
  }
}

module attributes {stable_mosaic.version = 14 : i64} {
  func.func @_mm_body(%arg0: i32, %arg1: memref<1000x256xf32, #tpu.memory_space<vmem>>, %arg2: memref<256x256xf32, #tpu.memory_space<vmem>>, %arg3: memref<1000x256xf32, #tpu.memory_space<vmem>>) attributes {dimension_semantics = [#tpu.dimension_semantics<arbitrary>], iteration_bounds = array<i64: 10>, scalar_prefetch = 0 : i64, scratch_operands = 0 : i64, tpu.core_type = #tpu.core_type<tc>, window_params = [{transform_indices = @transform_0, window_bounds = array<i64: 1000, 256>}, {pipeline_mode = #tpu.pipeline_mode<synchronous>, transform_indices = @transform_1, window_bounds = array<i64: 256, 256>}, {transform_indices = @transform_2, window_bounds = array<i64: 1000, 256>}]} {
    %get3A = arith.constant 0 : index
    %get3A_0 = arith.constant 0 : index
    %get3A_1 = vector.load %arg1[%get3A, %get3A_0] : memref<1000x256xf32, #tpu.memory_space<vmem>>, vector<1000x256xf32>
    %get3A_2 = arith.constant 0 : index
    %get3A_3 = arith.constant 0 : index
    %get3A_4 = vector.load %arg2[%get3A_2, %get3A_3] : memref<256x256xf32, #tpu.memory_space<vmem>>, vector<256x256xf32>
    %dot_general3A = arith.constant dense<0.000000e+00> : vector<1000x256xf32>
    %dot_general3A_5 = tpu.matmul %get3A_1, %get3A_4, %dot_general3A {dimension_numbers = #tpu.dot_dimension_numbers<[1], [0], [0], [1], [0, 0, 1, 1], [], []>, transpose_lhs_hint = false} : vector<1000x256xf32>, vector<256x256xf32>, vector<1000x256xf32> -> vector<1000x256xf32>
    %swap3A = arith.constant 0 : index
    %swap3A_6 = arith.constant 0 : index
    %swap3A_7 = vector.load %arg3[%swap3A, %swap3A_6] : memref<1000x256xf32, #tpu.memory_space<vmem>>, vector<1000x256xf32>
    tpu.vector_store %arg3[%swap3A, %swap3A_6], %dot_general3A_5 {strides = array<i32>} : memref<1000x256xf32, #tpu.memory_space<vmem>>, vector<1000x256xf32>,
    return
  }
  func.func @transform_0(%arg0: i32) -> (i32, i32) {
    %c0_i32 = arith.constant 0 : i32
    %c0_i32_0 = arith.constant 0 : i32
    return %arg0, %c0_i32 : i32, i32
  }
  func.func @transform_1(%arg0: i32) -> (i32, i32) {
    %c0_i32 = arith.constant 0 : i32
    %c0_i32_0 = arith.constant 0 : i32
    %c0_i32_1 = arith.constant 0 : i32
    return %c0_i32, %c0_i32_0 : i32, i32
  }
  func.func @transform_2(%arg0: i32) -> (i32, i32) {
    %c0_i32 = arith.constant 0 : i32
    %c0_i32_0 = arith.constant 0 : i32
    return %arg0, %c0_i32 : i32, i32
  }
}

module attributes {stable_mosaic.version = 14 : i64} {
  func.func @_scale_body(%arg0: i32, %arg1: memref<1000x256xf32, #tpu.memory_space<vmem>>, %arg2: memref<2x1x1x1000xf32, #tpu.memory_space<vmem>>, %arg3: memref<2x1000x128xf32, #tpu.memory_space<vmem>>) attributes {dimension_semantics = [#tpu.dimension_semantics<arbitrary>], iteration_bounds = array<i64: 10>, scalar_prefetch = 0 : i64, scratch_operands = 0 : i64, tpu.core_type = #tpu.core_type<tc>, window_params = [{transform_indices = @transform_0, window_bounds = array<i64: 1000, 256>}, {transform_indices = @transform_1, window_bounds = array<i64: 2, 1, 1, 1000>}, {transform_indices = @transform_2, window_bounds = array<i64: 2, 1000, 128>}]} {
    %get3A = arith.constant 0 : index
    %get3A_0 = arith.constant 0 : index
    %get3A_1 = arith.constant 0 : index
    %get3A_2 = arith.constant 0 : index
    %get3A_3 = vector.load %arg2[%get3A, %get3A_0, %get3A_1, %get3A_2] : memref<2x1x1x1000xf32, #tpu.memory_space<vmem>>, vector<1x1x1x1000xf32>
    %get3A_4 = vector.shape_cast %get3A_3 : vector<1x1x1x1000xf32> to vector<1000xf32>
    %get3A_5 = arith.constant 1 : index
    %get3A_6 = arith.constant 0 : index
    %get3A_7 = arith.constant 0 : index
    %get3A_8 = arith.constant 0 : index
    %get3A_9 = vector.load %arg2[%get3A_5, %get3A_6, %get3A_7, %get3A_8] : memref<2x1x1x1000xf32, #tpu.memory_space<vmem>>, vector<1x1x1x1000xf32>
    %get3A_10 = vector.shape_cast %get3A_9 : vector<1x1x1x1000xf32> to vector<1000xf32>
    %add3A = arith.addf %get3A_4, %get3A_10 : vector<1000xf32>
    %max3A = arith.constant 1.000000e+00 : f32
    %max3A_11 = vector.broadcast %max3A : f32 to vector<1000xf32>
    %max3A_12 = arith.maximumf %add3A, %max3A_11 : vector<1000xf32>
    %rsqrt3A = math.rsqrt %max3A_12 : vector<1000xf32>
    %broadcast_in_dim3A = vector.shape_cast %rsqrt3A : vector<1000xf32> to vector<1000x1xf32>
    %get3A_13 = arith.constant 0 : index
    %get3A_14 = arith.constant 0 : index
    %get3A_15 = vector.load %arg1[%get3A_13, %get3A_14] : memref<1000x256xf32, #tpu.memory_space<vmem>>, vector<1000x256xf32>
    %slice3A = vector.extract_strided_slice %get3A_15 {offsets = [0, 0], sizes = [1000, 128], strides = [1, 1]} : vector<1000x256xf32> to vector<1000x128xf32>
    %mul3A = vector.broadcast %broadcast_in_dim3A : vector<1000x1xf32> to vector<1000x128xf32>
    %mul3A_16 = arith.mulf %slice3A, %mul3A : vector<1000x128xf32>
    %swap3A = arith.constant 0 : index
    %swap3A_17 = arith.constant 0 : index
    %swap3A_18 = arith.constant 0 : index
    %swap3A_19 = vector.load %arg3[%swap3A, %swap3A_17, %swap3A_18] : memref<2x1000x128xf32, #tpu.memory_space<vmem>>, vector<1x1000x128xf32>
    %swap3A_20 = vector.shape_cast %swap3A_19 : vector<1x1000x128xf32> to vector<1000x128xf32>
    %swap3A_21 = vector.shape_cast %mul3A_16 : vector<1000x128xf32> to vector<1x1000x128xf32>
    tpu.vector_store %arg3[%swap3A, %swap3A_17, %swap3A_18], %swap3A_21 {strides = array<i32>} : memref<2x1000x128xf32, #tpu.memory_space<vmem>>, vector<1x1000x128xf32>,
    %slice3A_22 = vector.extract_strided_slice %get3A_15 {offsets = [0, 128], sizes = [1000, 128], strides = [1, 1]} : vector<1000x256xf32> to vector<1000x128xf32>
    %mul3A_23 = vector.broadcast %broadcast_in_dim3A : vector<1000x1xf32> to vector<1000x128xf32>
    %mul3A_24 = arith.mulf %slice3A_22, %mul3A_23 : vector<1000x128xf32>
    %swap3A_25 = arith.constant 1 : index
    %swap3A_26 = arith.constant 0 : index
    %swap3A_27 = arith.constant 0 : index
    %swap3A_28 = vector.load %arg3[%swap3A_25, %swap3A_26, %swap3A_27] : memref<2x1000x128xf32, #tpu.memory_space<vmem>>, vector<1x1000x128xf32>
    %swap3A_29 = vector.shape_cast %swap3A_28 : vector<1x1000x128xf32> to vector<1000x128xf32>
    %swap3A_30 = vector.shape_cast %mul3A_24 : vector<1000x128xf32> to vector<1x1000x128xf32>
    tpu.vector_store %arg3[%swap3A_25, %swap3A_26, %swap3A_27], %swap3A_30 {strides = array<i32>} : memref<2x1000x128xf32, #tpu.memory_space<vmem>>, vector<1x1000x128xf32>,
    return
  }
  func.func @transform_0(%arg0: i32) -> (i32, i32) {
    %c0_i32 = arith.constant 0 : i32
    %c0_i32_0 = arith.constant 0 : i32
    return %arg0, %c0_i32 : i32, i32
  }
  func.func @transform_1(%arg0: i32) -> (i32, i32, i32, i32) {
    %c0_i32 = arith.constant 0 : i32
    %c0_i32_0 = arith.constant 0 : i32
    %c0_i32_1 = arith.constant 0 : i32
    %c0_i32_2 = arith.constant 0 : i32
    return %c0_i32, %arg0, %c0_i32_0, %c0_i32_1 : i32, i32, i32, i32
  }
  func.func @transform_2(%arg0: i32) -> (i32, i32, i32) {
    %c0_i32 = arith.constant 0 : i32
    %c0_i32_0 = arith.constant 0 : i32
    %c0_i32_1 = arith.constant 0 : i32
    return %c0_i32, %arg0, %c0_i32_0 : i32, i32, i32
  }
}

module attributes {stable_mosaic.version = 14 : i64} {
  func.func @_final_body(%arg0: i32, %arg1: memref<2x1000x128xf32, #tpu.memory_space<vmem>>, %arg2: memref<2x1x1x1000xf32, #tpu.memory_space<vmem>>, %arg3: memref<1000x256xf32, #tpu.memory_space<vmem>>) attributes {dimension_semantics = [#tpu.dimension_semantics<arbitrary>], iteration_bounds = array<i64: 10>, scalar_prefetch = 0 : i64, scratch_operands = 0 : i64, tpu.core_type = #tpu.core_type<tc>, window_params = [{transform_indices = @transform_0, window_bounds = array<i64: 2, 1000, 128>}, {transform_indices = @transform_1, window_bounds = array<i64: 2, 1, 1, 1000>}, {transform_indices = @transform_2, window_bounds = array<i64: 1000, 256>}]} {
    %get3A = arith.constant 0 : index
    %get3A_0 = arith.constant 0 : index
    %get3A_1 = arith.constant 0 : index
    %get3A_2 = arith.constant 0 : index
    %get3A_3 = vector.load %arg2[%get3A, %get3A_0, %get3A_1, %get3A_2] : memref<2x1x1x1000xf32, #tpu.memory_space<vmem>>, vector<1x1x1x1000xf32>
    %get3A_4 = vector.shape_cast %get3A_3 : vector<1x1x1x1000xf32> to vector<1000xf32>
    %get3A_5 = arith.constant 1 : index
    %get3A_6 = arith.constant 0 : index
    %get3A_7 = arith.constant 0 : index
    %get3A_8 = arith.constant 0 : index
    %get3A_9 = vector.load %arg2[%get3A_5, %get3A_6, %get3A_7, %get3A_8] : memref<2x1x1x1000xf32, #tpu.memory_space<vmem>>, vector<1x1x1x1000xf32>
    %get3A_10 = vector.shape_cast %get3A_9 : vector<1x1x1x1000xf32> to vector<1000xf32>
    %add3A = arith.addf %get3A_4, %get3A_10 : vector<1000xf32>
    %max3A = arith.constant 1.000000e+00 : f32
    %max3A_11 = vector.broadcast %max3A : f32 to vector<1000xf32>
    %max3A_12 = arith.maximumf %add3A, %max3A_11 : vector<1000xf32>
    %rsqrt3A = math.rsqrt %max3A_12 : vector<1000xf32>
    %broadcast_in_dim3A = vector.shape_cast %rsqrt3A : vector<1000xf32> to vector<1000x1xf32>
    %get3A_13 = arith.constant 0 : index
    %get3A_14 = arith.constant 0 : index
    %get3A_15 = arith.constant 0 : index
    %get3A_16 = vector.load %arg1[%get3A_13, %get3A_14, %get3A_15] : memref<2x1000x128xf32, #tpu.memory_space<vmem>>, vector<1x1000x128xf32>
    %get3A_17 = vector.shape_cast %get3A_16 : vector<1x1000x128xf32> to vector<1000x128xf32>
    %mul3A = vector.broadcast %broadcast_in_dim3A : vector<1000x1xf32> to vector<1000x128xf32>
    %mul3A_18 = arith.mulf %get3A_17, %mul3A : vector<1000x128xf32>
    %swap3A = arith.constant 0 : index
    %swap3A_19 = arith.constant 0 : index
    %swap3A_20 = vector.load %arg3[%swap3A, %swap3A_19] : memref<1000x256xf32, #tpu.memory_space<vmem>>, vector<1000x128xf32>
    tpu.vector_store %arg3[%swap3A, %swap3A_19], %mul3A_18 {strides = array<i32>} : memref<1000x256xf32, #tpu.memory_space<vmem>>, vector<1000x128xf32>,
    %get3A_21 = arith.constant 1 : index
    %get3A_22 = arith.constant 0 : index
    %get3A_23 = arith.constant 0 : index
    %get3A_24 = vector.load %arg1[%get3A_21, %get3A_22, %get3A_23] : memref<2x1000x128xf32, #tpu.memory_space<vmem>>, vector<1x1000x128xf32>
    %get3A_25 = vector.shape_cast %get3A_24 : vector<1x1000x128xf32> to vector<1000x128xf32>
    %mul3A_26 = vector.broadcast %broadcast_in_dim3A : vector<1000x1xf32> to vector<1000x128xf32>
    %mul3A_27 = arith.mulf %get3A_25, %mul3A_26 : vector<1000x128xf32>
    %swap3A_28 = arith.constant 0 : index
    %swap3A_29 = arith.constant 128 : index
    %swap3A_30 = vector.load %arg3[%swap3A_28, %swap3A_29] : memref<1000x256xf32, #tpu.memory_space<vmem>>, vector<1000x128xf32>
    tpu.vector_store %arg3[%swap3A_28, %swap3A_29], %mul3A_27 {strides = array<i32>} : memref<1000x256xf32, #tpu.memory_space<vmem>>, vector<1000x128xf32>,
    return
  }
  func.func @transform_0(%arg0: i32) -> (i32, i32, i32) {
    %c0_i32 = arith.constant 0 : i32
    %c0_i32_0 = arith.constant 0 : i32
    %c0_i32_1 = arith.constant 0 : i32
    return %c0_i32, %arg0, %c0_i32_0 : i32, i32, i32
  }
  func.func @transform_1(%arg0: i32) -> (i32, i32, i32, i32) {
    %c0_i32 = arith.constant 0 : i32
    %c0_i32_0 = arith.constant 0 : i32
    %c0_i32_1 = arith.constant 0 : i32
    %c0_i32_2 = arith.constant 0 : i32
    return %c0_i32, %arg0, %c0_i32_0, %c0_i32_1 : i32, i32, i32, i32
  }
  func.func @transform_2(%arg0: i32) -> (i32, i32) {
    %c0_i32 = arith.constant 0 : i32
    %c0_i32_0 = arith.constant 0 : i32
    return %arg0, %c0_i32 : i32, i32
  }
}

</mosaic_0001>

<sc_bundles>
// kernel: kernel.10.cloned.1.call-start
scs
__scs_entry_jumppad:
0x0: {  	(pc) =	sbr.rel $0x88, $3  }
0x1: {  	(tag) =	ssettag $0x0;
	lr =	simm.s32 $0x1  }
0x2: {  	[smem:$0x3F9E] =	sst lr;
	_ =	strace $0xD0000000  }
0x3: {  	_ = 	snop  }
0x4: {  	_ = 	snop  }
0x5: {  	_ = 	snop  }
0x6: {  	_ = 	snop  }
0x7: {  	_ = 	snop  }
__scs_overlays_trampoline_lowered:
0x8: {  	[smem:$0x3FAD] =	sst s0  }
0x9: {  	[smem:$0x3FAE] =	sst s1  }
0xa: {  	[smem:$0x3FAF] =	sst s2  }
0xb: {  	[smem:$0x3FB0] =	sst s3  }
0xc: {  	[smem:$0x3FB1] =	sst s4  }
0xd: {  	[smem:$0x3FB2] =	sst s5  }
0xe: {  	[smem:$0x3FB3] =	sst s6  }
0xf: {  	[smem:$0x3FB4] =	sst s7  }
0x10: {  	[smem:$0x3FB5] =	sst s8  }
0x11: {  	[smem:$0x3FB6] =	sst s9;
	s0 =	simm.s32 @!p0 $0x0  }
0x12: {  	s1 =	sld [smem:$0x3F9C];
	s0 =	simm.s32 @p0 $0x1  }
0x13: {  	[smem:$0x3FB7] =	sst s0;
	s0 =	simm.s32 @!p1 $0x0  }
0x14: {  	s2 =	sld [smem:$0x3F9B];
	s0 =	simm.s32 @p1 $0x1  }
0x15: {  	[smem:$0x3FB8] =	sst s0;
	s0 =	simm.s32 @!p2 $0x0  }
0x16: {  	s3 =	sld [smem:$0x3FDB];
	s0 =	simm.s32 @p2 $0x1  }
0x17: {  	s4 =	simm.s32 $0x1BF5;
	[smem:$0x3FBA] =	sst s0  }
0x18: {  	s0 =	sld [smem:$0x3F9D];
	_ =	swait.ge [sflag:s4], $0x0  }
0x19: {  	s7 =	sld [smem:$0x3F9E]  }
0x1a: {  	s8 =	sadd.s32 $0xFFFFE003, lr  }
0x1b: {  	s9 =	sadd.s32 $0xFFFFFEF7, lr;
	s5 =	simm.s32 $0xFFFFFFFF;
	p2 =	slt.u32 s8, $0xFFFFF086  }
0x1c: {  	p1 =	slt.u32 s9, $0xF7A;
	s5 =	simm.s32 @!p2 $0x0  }
0x1d: {  	s5 =	simm.s32 @p1 $0x1;
	p0 =	seq.s32 s7, s2  }
0x1e: {  	s7 =	smul.u32 @!p0 $0xF7A, s2;
	p2 =	seq.s32 @!p0 s5, $0x0  }
0x1f: {  	s9 =	smul.u32 $0xF7A, s1;
	s8 =	simm.s32 @!p0 $0x1BF5;
	p2 =	por !p2, p0  }
0x20: {  	[sflag:s8] =	ssyncset.s32 @!p0 $0xFFFFF086;
	s6 =	sadd.s32 @!p0 s3, s7;
	s7 =	simm.s32 @!p0 $0x108  }
0x21: {  	s3 =	sadd.s32 s3, s9;
	s6 =	sadd.s32 @!p0 $0x88, s6;
	s7 =	simm.s32 @p2 $0x1082  }
0x22: {  	[simem:s7], [sflag:s8] =	dma.local @!p0 [hbm:s6], $0xF7A  }
0x23: {  	s9 =	sor.u32 $0xD0000000, s2;
	s6 =	simm.s32 $0x108;
	_ =	swait.ge @!p0 [sflag:s8], $0x0  }
0x24: {  	s3 =	sadd.s32 $0x88, s3;
	s6 =	simm.s32 @!p1 $0x1082;
	[sflag:s4] =	ssyncset.s32 $0xFFFFF086  }
0x25: {  	[simem:s6], [sflag:s4] =	dma.local [hbm:s3], $0xF7A  }
0x26: {  	[smem:$0x3F9E] =	sst s1;
	(tag) =	ssettag s2;
	_ =	strace s9  }
0x27: {  	s1 =	sld [smem:$0x3FAE]  }
0x28: {  	s2 =	sld [smem:$0x3FAF]  }
0x29: {  	s4 =	sld [smem:$0x3FB1]  }
0x2a: {  	p0 =	seq.s32 s5, $0x0;
	s5 =	sld [smem:$0x3FB2]  }
0x2b: {  	s6 =	sld [smem:$0x3FB3]  }
0x2c: {  	s7 =	sld [smem:$0x3FB4]  }
0x2d: {  	s3 =	simm.s32 $0x108;
	s8 =	sld [smem:$0x3FB5]  }
0x2e: {  	s3 =	simm.s32 @!p0 $0x1082;
	s9 =	sld [smem:$0x3FB6]  }
0x2f: {  	lr =	sadd.s32 s0, s3;
	s0 =	sld [smem:$0x3FAD]  }
0x30: {  	s3 =	sld [smem:$0x3FB0]  }
0x31: {  	[smem:$0x3FB9] =	sst s10  }
0x32: {  	s10 =	sld [smem:$0x3FB7];
	_ =	sdelay $0x3  }
0x33: {  	p0 =	seq.s32 s10, $0x1;
	s10 =	sld [smem:$0x3FB9];
	_ =	sdelay $0x3  }
0x34: {  	[smem:$0x3FB9] =	sst s10  }
0x35: {  	s10 =	sld [smem:$0x3FB8];
	_ =	sdelay $0x3  }
0x36: {  	p1 =	seq.s32 s10, $0x1;
	s10 =	sld [smem:$0x3FB9];
	_ =	sdelay $0x3  }
0x37: {  	[smem:$0x3FB9] =	sst s10  }
0x38: {  	s10 =	sld [smem:$0x3FBA]  }
0x39: {  	_ = 	snop;
	(pc) =	sbr.ind lr, $3  }
0x3a: {  	_ = 	snop  }
0x3b: {  	_ = 	snop  }
0x3c: {  	p2 =	seq.s32 s10, $0x1;
	s10 =	sld [smem:$0x3FB9]  }
0x3d: {  	_ =	shalt  }
0x3e: {  	_ =	shalt  }
0x3f: {  	_ =	shalt  }
0x40: {  	_ =	shalt  }
0x41: {  	_ =	shalt  }
0x42: {  	_ =	shalt  }
0x43: {  	_ =	shalt  }
0x44: {  	_ =	shalt  }
0x45: {  	_ =	shalt  }
0x46: {  	_ =	shalt  }
0x47: {  	_ =	shalt  }
0x48: {  	_ =	shalt  }
0x49: {  	_ =	shalt  }
0x4a: {  	_ =	shalt  }
0x4b: {  	_ =	shalt  }
0x4c: {  	_ =	shalt  }
0x4d: {  	_ =	shalt  }
0x4e: {  	_ =	shalt  }
0x4f: {  	_ =	shalt  }
0x50: {  	_ =	shalt  }
0x51: {  	_ =	shalt  }
0x52: {  	_ =	shalt  }
0x53: {  	_ =	shalt  }
0x54: {  	_ =	shalt  }
0x55: {  	_ =	shalt  }
0x56: {  	_ =	shalt  }
0x57: {  	_ =	shalt  }
0x58: {  	_ =	shalt  }
0x59: {  	_ =	shalt  }
0x5a: {  	_ =	shalt  }
0x5b: {  	_ =	shalt  }
0x5c: {  	_ =	shalt  }
0x5d: {  	_ =	shalt  }
0x5e: {  	_ =	shalt  }
0x5f: {  	_ =	shalt  }
0x60: {  	_ =	shalt  }
0x61: {  	_ =	shalt  }
0x62: {  	_ =	shalt  }
0x63: {  	_ =	shalt  }
0x64: {  	_ =	shalt  }
0x65: {  	_ =	shalt  }
0x66: {  	_ =	shalt  }
0x67: {  	_ =	shalt  }
0x68: {  	_ =	shalt  }
0x69: {  	_ =	shalt  }
0x6a: {  	_ =	shalt  }
0x6b: {  	_ =	shalt  }
0x6c: {  	_ =	shalt  }
0x6d: {  	_ =	shalt  }
0x6e: {  	_ =	shalt  }
0x6f: {  	_ =	shalt  }
0x70: {  	_ =	shalt  }
0x71: {  	_ =	shalt  }
0x72: {  	_ =	shalt  }
0x73: {  	_ =	shalt  }
0x74: {  	_ =	shalt  }
0x75: {  	_ =	shalt  }
0x76: {  	_ =	shalt  }
0x77: {  	_ =	shalt  }
0x78: {  	_ =	shalt  }
0x79: {  	_ =	shalt  }
0x7a: {  	_ =	shalt  }
0x7b: {  	_ =	shalt  }
0x7c: {  	_ =	shalt  }
0x7d: {  	_ =	shalt  }
0x7e: {  	_ =	shalt  }
0x7f: {  	_ =	shalt  }
0x80: {  	_ =	shalt  }
0x81: {  	_ =	shalt  }
0x82: {  	_ =	shalt  }
0x83: {  	_ =	shalt  }
0x84: {  	_ =	shalt  }
0x85: {  	_ =	shalt  }
0x86: {  	_ =	shalt  }
0x87: {  	_ =	shalt  }
.Lfunc_end0:
.L_simem_size_0:
called_computation.1_lowered:
.L_overlay_start_0:
0x88: {  	s2 =	sld [smem:$0x3FD9]  }
0x89: {  	s3 =	sld [smem:$0x3FFE];
	_ =	sdelay $0x1  }
0x8a: {  	s1 =	srdreg.scid  }
0x8b: {  	s0 =	sand.u32 $0x1, s1  }
0x8c: {  	s17 =	sshll.u32 s0, $0xA;
	s2 =	sadd.s32 s3, s2  }
0x8d: {  	s2 =	sadd.s32 s2, s17  }
0x8e: {  	[smem:$0x3FC5] =	sst s2  }
0x8f: {  	_ = 	snop  }
0x90: {  	s2 =	sld [smem:$0x3FD0];
	(tm) =	ssettm $0x1  }
0x91: {  	s18 =	sld [smem:$0x3FFB];
	_ =	sdelay $0x3  }
0x92: {  	_ =	strace s18  }
0x93: {  	s3 =	sld [smem:$0x3FFC];
	_ =	sdelay $0x3  }
0x94: {  	_ =	strace s3  }
0x95: {  	s3 =	sld [smem:$0x3FFD];
	_ =	sdelay $0x3  }
0x96: {  	_ =	strace s3  }
0x97: {  	_ =	strace $0x8FFFFFFF  }
0x98: {  	s19 =	sld [smem:$0x3FDB];
	_ =	sdelay $0x1  }
0x99: {  	s4 =	simm.s32 $_scs_section_size  }
0x9a: {  	s5 =	simm.s32 $_size__tile_overlayer_lowered;
	s6 =	simm.s32 $_tile_overlayer_lowered  }
0x9b: {  	s22 =	simm.s32 $0x1BFF;
	s21 =	sshll.u32 s6, $0x1;
	s3 =	sadd.s32 s4, s19  }
0x9c: {  	s7 =	simm.s32 $0x0;
	s20 =	sshll.u32 s5, $0x1;
	s5 =	sadd.s32 s21, s3  }
0x9d: {  	[timem:s7], [sflag:s22] =	dma.local [hbm:s5], s20  }
0x9e: {  	_ =	swait.ge [sflag:s22], s20  }
0x9f: {  	s4 =	ssub.s32 $0x0, s20;
	[sflag:s22] =	ssyncset.done $0x0  }
0xa0: {  	[sflag:s22] =	ssyncadd.s32 s4;
	_ =	sdelay $0x1  }
0xa1: {  	s23 =	simm.s32 $0x1B8B  }
0xa2: {  	_ =	swait.ge [sflag:s23], $0x1  }
0xa3: {  	[sflag:s23] =	ssyncset.done $0x0  }
0xa4: {  	s25 =	simm.s32 $0x1B8E;
	s24 =	sld [smem:$0x3FFE];
	[sflag:s23] =	ssyncadd.s32 $0xFFFFFFFF  }
0xa5: {  	s26 =	simm.s32 $execute0_lowered;
	[smem:$0x3FD2] =	sst s25  }
0xa6: {  	s5 =	sshll.u32 s26, $0x1;
	_ =	strace $0x80000049;
	[dreg:$0x1] =	wrdreg $0xFFFFFFFF  }
0xa7: {  	s28 =	simm.s32 $_size_execute0_lowered;
	s3 =	sadd.s32 s3, s5;
	[dreg:$0x0] =	wrdreg $0x0  }
0xa8: {  	s5 =	sshll.u32 s28, $0x1;
	[dreg:$0x2] =	wrdreg s3  }
0xa9: {  	[dreg:$0x3] =	wrdreg s5  }
0xaa: {  	[dreg:$0x4] =	wrdreg $0xC0  }
0xab: {  	_ =	task [dreg:s7], $0x5FFFF  }
0xac: {  	[dreg:$0x1] =	wrdreg $0xFFFFFFFF  }
0xad: {  	[dreg:$0x0] =	wrdreg $0x60  }
0xae: {  	[dreg:$0x2] =	wrdreg s2  }
0xaf: {  	[dreg:$0x3] =	wrdreg s24  }
0xb0: {  	[dreg:$0x4] =	wrdreg $0xA9000  }
0xb1: {  	[dreg:$0x5] =	wrdreg $0x9  }
0xb2: {  	_ =	task.clear_ibuf [dreg:s7], $0x6FFFF;
	_ =	strace $0x90000049  }
0xb3: {  	s29 =	simm.s32 $0x9;
	_ =	strace $0x8000004B  }
0xb4: {  	_ =	swait.ge [sflag:s29], $0x1  }
0xb5: {  	[sflag:s29] =	ssyncadd.s32 $0xFFFFFFFF  }
0xb6: {  	_ =	strace $0x9000004B  }
0xb7: {  	_ =	sfence  }
0xb8: {  	s30 =	sld [smem:$0x0];
	_ =	sdelay $0x2  }
0xb9: {  	s31 =	sshll.u32 s1, $0xD;
	s1 =	sshrl.u32 s1, $0x2  }
0xba: {  	s3 =	sand.u32 $0x4000, s31;
	s1 =	sadd.s32 s1, s30  }
0xbb: {  	s0 =	sor.u32 s3, s0;
	s1 =	sshll.u32 s1, $0x11  }
0xbc: {  	s0 =	sor.u32 s1, s0  }
0xbd: {  	s0 =	sadd.s32 $0x8F2B, s0  }
0xbe: {  	[sflag:s0] =	ssyncadd.remote.s32 $0x1  }
0xbf: {  	_ =	sfence.sel $0xFFFF  }
0xc0: {  	[dreg:$0x0] =	wrdreg $0xFFFFFFFF;
	(pc) =	sbr.abs _section_cstart, $3  }
0xc1: {  	[dreg:$0x1] =	wrdreg $0xFFFFFFFF  }
0xc2: {  	_ =	task.clear_ibuf [dreg:s7], $0x2FFFF;
	_ =	strace $0x9FFFFFFF  }
0xc3: {  	(tm) =	ssettm $0x7FFFFFFF  }
tec
execute0_lowered:
.L_overlay_start_1:
0x0: {  	(tag) =	ssettag $0x1  }
0x1: {  	s7 =	rddreg [dreg:$0x0]  }
0x2: {  	s4 =	rddreg [dreg:$0x1]  }
0x3: {  	s2 =	rddreg [dreg:$0x2]  }
0x4: {  	s0 =	rddreg [dreg:$0x3];
	s3 =	simm.s32 $0x0;
	s1 =	stileid.u32  }
0x5: {  	s6 =	srdreg.scid;
	s13 =	simm.s32 $0x80;
	s14 =	simm.s32 $0x2900  }
0x6: {  	s15 =	simm.s32 $0x6900;
	s16 =	simm.s32 $0x1;
	s17 =	simm.s32 $0x2  }
0x7: {  	s18 =	simm.s32 $0x3;
	s19 =	simm.s32 $0x4;
	s5 =	smul.u32 $0x500, s1  }
0x8: {  	s20 =	simm.s32 $0x2800;
	s21 =	simm.s32 $0x2880;
	s22 =	smul.u32 $0x2800, s1  }
0x9: {  	[smem:$0x7FF] =	sst s3;
	s6 =	sand.u32 $0x1, s6;
	s12 =	smul.u32 $0x50000, s1  }
0xa: {  	s31 =	sshll.u32 s1, $0x6;
	_ =	strace $0x8000004A;
	s8 =	smul.u32 $0x28000, s6  }
0xb: {  	s9 =	ssub.s32 $0x2, s6;
	s29 =	smul.u32 $0x27100, s6;
	s5 =	sadd.s32 s5, s4  }
0xc: {  	s10 =	sadd.s32 s22, s4;
	s11 =	sshrl.u32 s9, $0x1;
	s30 =	sshrl.u32 s12, $0x2  }
0xd: {  	s8 =	sadd.s32 s8, s4;
	s9 =	ssub.s32 s9, s11;
	s4 =	sadd.s32 $0x2EE00, s5  }
0xe: {  	s5 =	sadd.s32 $0x29C00, s5;
	s12 =	sadd.s32 s30, s2;
	s6 =	sadd.s32 $0x1200, s10  }
0xf: {  	s7 =	sadd.s32 s7, s29;
	s10 =	simm.s32 $0x5;
	s11 =	sor.u32 $0x1C05, s31  }
0x10: {  	s23 =	sadd.s32 $0x34000, s8;
	s8 =	smax.u32 s9, $0x1;
	s9 =	simm.s32 $0x100  }
0x11: {  	s12 =	sshrl.u32 s12, $0x3;
	s22 =	sadd.s32 s22, s23;
	s23 =	simm.s32 $0x0  }
.LBB2_1:
0x12: {  	[tilespmem:s9], [sflag:$0x5] =	stream.linear.gather [hbm4b:s4+s3], $0x2800, $0x38;
	[tilespmem:$0x1E900] =	vst v63  }
0x13: {  	_ =	swait.ge [sflag:s10], $0x2800  }
0x14: {  	[sflag:s10] =	ssyncset.done $0x0  }
0x15: {  	[sflag:s10] =	ssyncadd.s32 $0xFFFFD800  }
0x16: {  	[tilespmem:s3], [sflag:$0x5] =	stream.linear.gather [hbm4b:s5+s3], $0x100, $0x38;
	[tilespmem:$0x1E900] =	vst v63  }
0x17: {  	_ =	swait.ge [sflag:s10], $0x100  }
0x18: {  	[sflag:s10] =	ssyncset.done $0x0  }
0x19: {  	[sflag:s10] =	ssyncadd.s32 $0xFFFFFF00  }
0x1a: {  	[spmem:s12], [sflag:s11] =	dma.local [hbm:s6], $0x2800  }
0x1b: {  	_ =	swait.ge [sflag:s10], $0x2800  }
0x1c: {  	[sflag:s10] =	ssyncset.done $0x0  }
0x1d: {  	[sflag:s10] =	ssyncadd.s32 $0xFFFFD800  }
0x1e: {  	[bflag:$0x0] =	sbarrier.arrive $0xFFFF  }
0x1f: {  	[tilespmem:s14], [sflag:$0x1] =	stream.indirect.gather [hbm4b:s7+s13], $0x80, s3, s13, $0xb8;
	[tilespmem:$0x1E900] =	vst v63  }
0x20: {  	_ = 	snop  }
0x21: {  	[tilespmem:s15], [sflag:$0x2] =	stream.indirect.gather [hbm4b:s7+s13], $0x80, s13, s13, $0xb8;
	[tilespmem:$0x1E900] =	vst v63  }
0x22: {  	_ =	swait.ge [sflag:s16], $0x4000  }
0x23: {  	[sflag:s16] =	ssyncset.done $0x0  }
0x24: {  	s24 =	simm.s32 $0x100;
	[sflag:s16] =	ssyncadd.s32 $0xFFFFC000  }
0x25: {  	[spmem:s2] =	stream.indirect.scatter.add.f32 [tilespmem:s14], [sflag:$0x3], $0x80, s24, s13, $0xb8;
	[tilespmem:$0x1E900] =	vst v63  }
0x26: {  	_ =	swait.ge [sflag:s17], $0x4000  }
0x27: {  	[sflag:s17] =	ssyncset.done $0x0  }
0x28: {  	s30 =	simm.s32 $0x180;
	[sflag:s17] =	ssyncadd.s32 $0xFFFFC000  }
0x29: {  	[spmem:s2] =	stream.indirect.scatter.add.f32 [tilespmem:s15], [sflag:$0x4], $0x80, s30, s13, $0xb8;
	[tilespmem:$0x1E900] =	vst v63  }
0x2a: {  	s31 =	sadd.s32 $0x20, s5  }
0x2b: {  	[tilespmem:s3], [sflag:$0x5] =	stream.linear.gather [hbm4b:s31+s3], $0x100, $0x38;
	[tilespmem:$0x1E900] =	vst v63  }
0x2c: {  	_ =	swait.ge [sflag:s10], $0x100  }
0x2d: {  	[sflag:s10] =	ssyncset.done $0x0  }
0x2e: {  	[sflag:s10] =	ssyncadd.s32 $0xFFFFFF00  }
0x2f: {  	_ =	swait.ge [sflag:s18], $0x4000  }
0x30: {  	[sflag:s18] =	ssyncset.done $0x0  }
0x31: {  	[sflag:s18] =	ssyncadd.s32 $0xFFFFC000  }
0x32: {  	[tilespmem:s14], [sflag:$0x1] =	stream.indirect.gather [hbm4b:s7+s13], $0x80, s3, s13, $0xb8;
	[tilespmem:$0x1E900] =	vst v63  }
0x33: {  	_ =	swait.ge [sflag:s19], $0x4000  }
0x34: {  	[sflag:s19] =	ssyncset.done $0x0  }
0x35: {  	s25 =	simm.s32 $0x280;
	s24 =	simm.s32 $0x40;
	[sflag:s19] =	ssyncadd.s32 $0xFFFFC000  }
.LBB2_2:
0x36: {  	[tilespmem:s15], [sflag:$0x2] =	stream.indirect.gather [hbm4b:s7+s13], $0x80, s13, s13, $0xb8;
	[tilespmem:$0x1E900] =	vst v63  }
0x37: {  	s26 =	smov.u32 s24  }
0x38: {  	p0 =	sne.s32 s24, $0x4E0;
	s24 =	sadd.s32 $0x20, s24;
	_ =	swait.ge [sflag:s16], $0x4000  }
0x39: {  	[sflag:s16] =	ssyncset.done $0x0  }
0x3a: {  	s28 =	sadd.s32 $0xFFFFFF80, s25;
	[sflag:s16] =	ssyncadd.s32 $0xFFFFC000  }
0x3b: {  	[spmem:s2] =	stream.indirect.scatter.add.f32 [tilespmem:s14], [sflag:$0x3], $0x80, s28, s13, $0xb8;
	[tilespmem:$0x1E900] =	vst v63  }
0x3c: {  	_ =	swait.ge [sflag:s17], $0x4000  }
0x3d: {  	[sflag:s17] =	ssyncset.done $0x0  }
0x3e: {  	[sflag:s17] =	ssyncadd.s32 $0xFFFFC000  }
0x3f: {  	[spmem:s2] =	stream.indirect.scatter.add.f32 [tilespmem:s15], [sflag:$0x4], $0x80, s25, s13, $0xb8;
	[tilespmem:$0x1E900] =	vst v63  }
0x40: {  	s26 =	sadd.s32 s26, s5  }
0x41: {  	[tilespmem:s3], [sflag:$0x5] =	stream.linear.gather [hbm4b:s26+s3], $0x100, $0x38;
	[tilespmem:$0x1E900] =	vst v63  }
0x42: {  	_ =	swait.ge [sflag:s10], $0x100  }
0x43: {  	[sflag:s10] =	ssyncset.done $0x0  }
0x44: {  	[sflag:s10] =	ssyncadd.s32 $0xFFFFFF00  }
0x45: {  	_ =	swait.ge [sflag:s18], $0x4000  }
0x46: {  	[sflag:s18] =	ssyncset.done $0x0  }
.Ltmp0:
0x47: {  	[sflag:s18] =	ssyncadd.s32 $0xFFFFC000;
	(pc) =	sbr.rel @p0 .LBB2_2-.Ltmp0, $4  }
0x48: {  	[tilespmem:s14], [sflag:$0x1] =	stream.indirect.gather [hbm4b:s7+s13], $0x80, s3, s13, $0xb8;
	[tilespmem:$0x1E900] =	vst v63  }
0x49: {  	_ =	swait.ge [sflag:s19], $0x4000  }
0x4a: {  	[sflag:s19] =	ssyncset.done $0x0  }
0x4b: {  	s25 =	sadd.s32 $0x100, s25;
	[sflag:s19] =	ssyncadd.s32 $0xFFFFC000  }
0x4c: {  	[tilespmem:s15], [sflag:$0x2] =	stream.indirect.gather [hbm4b:s7+s13], $0x80, s13, s13, $0xb8;
	[tilespmem:$0x1E900] =	vst v63  }
0x4d: {  	_ =	swait.ge [sflag:s16], $0x4000  }
0x4e: {  	[sflag:s16] =	ssyncset.done $0x0  }
0x4f: {  	[sflag:s16] =	ssyncadd.s32 $0xFFFFC000  }
0x50: {  	[spmem:s2] =	stream.indirect.scatter.add.f32 [tilespmem:s14], [sflag:$0x3], $0x80, s20, s13, $0xb8;
	[tilespmem:$0x1E900] =	vst v63  }
0x51: {  	_ =	swait.ge [sflag:s17], $0x4000  }
0x52: {  	[sflag:s17] =	ssyncset.done $0x0  }
0x53: {  	[sflag:s17] =	ssyncadd.s32 $0xFFFFC000  }
0x54: {  	[spmem:s2] =	stream.indirect.scatter.add.f32 [tilespmem:s15], [sflag:$0x4], $0x80, s21, s13, $0xb8;
	[tilespmem:$0x1E900] =	vst v63  }
0x55: {  	_ =	swait.ge [sflag:s18], $0x4000  }
0x56: {  	[sflag:s18] =	ssyncset.done $0x0  }
0x57: {  	[sflag:s18] =	ssyncadd.s32 $0xFFFFC000  }
0x58: {  	_ =	swait.ge [sflag:s19], $0x4000  }
0x59: {  	s23 =	sadd.s32 $0x1, s23;
	[sflag:s19] =	ssyncset.done $0x0  }
0x5a: {  	p0 =	sne.s32 s23, s8;
	[sflag:s19] =	ssyncadd.s32 $0xFFFFC000  }
.Ltmp1:
0x5b: {  	[bflag:$0x0] =	sbarrier.arrive $0xFFFF;
	(pc) =	sbr.rel @p0 .LBB2_1-.Ltmp1, $4  }
0x5c: {  	[hbm:s22], [sflag:s11] =	dma.local [spmem:s12], $0x2800  }
0x5d: {  	_ =	swait.ge [sflag:s10], $0x2800  }
0x5e: {  	[sflag:s10] =	ssyncset.done $0x0  }
0x5f: {  	[sflag:s10] =	ssyncadd.s32 $0xFFFFD800  }
0x60: {  	_ =	sfence.sel $0x180000  }
0x61: {  	[bflag:$0x0] =	sbarrier.arrive $0xFFFF  }
0x62: {  	p0 =	sne.s32 s1, $0x0;
	_ =	strace $0x9000004A  }
0x63: {  	s0 =	sadd.s32 @!p0 $0x100000, s0;
	[bflag:$0x2] =	sbarrier.arrive $0xFFFF  }
0x64: {  	[sflag:s0] =	ssyncadd.tile.s32 @!p0 $0x1;
	_ =	shalt  }
.Lfunc_end2:
_tile_overlayer_lowered:
.L_overlay_start_2:
0x65: {  	(tag) =	ssettag $0x2  }
0x66: {  	s0 =	rddreg [dreg:$0x0];
	s2 =	stileid.u32  }
0x67: {  	s1 =	rddreg [dreg:$0x1];
	p0 =	sne.s32 s2, $0x0  }
0x68: {  	s3 =	rddreg [dreg:$0x2];
	[bflag:$0x3] =	sbarrier.arrive $0xFFFF;
	s2 =	simm.s32 @!p0 $0x1C05  }
0x69: {  	[timem:s3], [sflag:s2] =	dma.local @!p0 [hbm:s0], s1  }
0x6a: {  	s0 =	simm.s32 @!p0 $0x5  }
0x6b: {  	_ =	swait.ge @!p0 [sflag:s0], s1  }
0x6c: {  	s1 =	ssub.s32 @!p0 $0x0, s1;
	[sflag:s0] =	ssyncset.done @!p0 $0x0  }
0x6d: {  	[sflag:s0] =	ssyncadd.s32 @!p0 s1  }
0x6e: {  	[bflag:$0x3] =	sbarrier.arrive $0xFFFF  }
0x6f: {  	_ =	shalt  }

// kernel: kernel.7.cloned.1.call-start
scs
__scs_entry_jumppad:
0x0: {  	(pc) =	sbr.rel $0x88, $3  }
0x1: {  	(tag) =	ssettag $0x0;
	lr =	simm.s32 $0x1  }
0x2: {  	[smem:$0x3F9E] =	sst lr;
	_ =	strace $0xD0000000  }
0x3: {  	_ = 	snop  }
0x4: {  	_ = 	snop  }
0x5: {  	_ = 	snop  }
0x6: {  	_ = 	snop  }
0x7: {  	_ = 	snop  }
__scs_overlays_trampoline_lowered:
0x8: {  	[smem:$0x3FAD] =	sst s0  }
0x9: {  	[smem:$0x3FAE] =	sst s1  }
0xa: {  	[smem:$0x3FAF] =	sst s2  }
0xb: {  	[smem:$0x3FB0] =	sst s3  }
0xc: {  	[smem:$0x3FB1] =	sst s4  }
0xd: {  	[smem:$0x3FB2] =	sst s5  }
0xe: {  	[smem:$0x3FB3] =	sst s6  }
0xf: {  	[smem:$0x3FB4] =	sst s7  }
0x10: {  	[smem:$0x3FB5] =	sst s8  }
0x11: {  	[smem:$0x3FB6] =	sst s9;
	s0 =	simm.s32 @!p0 $0x0  }
0x12: {  	s1 =	sld [smem:$0x3F9C];
	s0 =	simm.s32 @p0 $0x1  }
0x13: {  	[smem:$0x3FB7] =	sst s0;
	s0 =	simm.s32 @!p1 $0x0  }
0x14: {  	s2 =	sld [smem:$0x3F9B];
	s0 =	simm.s32 @p1 $0x1  }
0x15: {  	[smem:$0x3FB8] =	sst s0;
	s0 =	simm.s32 @!p2 $0x0  }
0x16: {  	s3 =	sld [smem:$0x3FDB];
	s0 =	simm.s32 @p2 $0x1  }
0x17: {  	s4 =	simm.s32 $0x1BF5;
	[smem:$0x3FBA] =	sst s0  }
0x18: {  	s0 =	sld [smem:$0x3F9D];
	_ =	swait.ge [sflag:s4], $0x0  }
0x19: {  	s7 =	sld [smem:$0x3F9E]  }
0x1a: {  	s8 =	sadd.s32 $0xFFFFE003, lr  }
0x1b: {  	s9 =	sadd.s32 $0xFFFFFEF7, lr;
	s5 =	simm.s32 $0xFFFFFFFF;
	p2 =	slt.u32 s8, $0xFFFFF086  }
0x1c: {  	p1 =	slt.u32 s9, $0xF7A;
	s5 =	simm.s32 @!p2 $0x0  }
0x1d: {  	s5 =	simm.s32 @p1 $0x1;
	p0 =	seq.s32 s7, s2  }
0x1e: {  	s7 =	smul.u32 @!p0 $0xF7A, s2;
	p2 =	seq.s32 @!p0 s5, $0x0  }
0x1f: {  	s9 =	smul.u32 $0xF7A, s1;
	s8 =	simm.s32 @!p0 $0x1BF5;
	p2 =	por !p2, p0  }
0x20: {  	[sflag:s8] =	ssyncset.s32 @!p0 $0xFFFFF086;
	s6 =	sadd.s32 @!p0 s3, s7;
	s7 =	simm.s32 @!p0 $0x108  }
0x21: {  	s3 =	sadd.s32 s3, s9;
	s6 =	sadd.s32 @!p0 $0x88, s6;
	s7 =	simm.s32 @p2 $0x1082  }
0x22: {  	[simem:s7], [sflag:s8] =	dma.local @!p0 [hbm:s6], $0xF7A  }
0x23: {  	s9 =	sor.u32 $0xD0000000, s2;
	s6 =	simm.s32 $0x108;
	_ =	swait.ge @!p0 [sflag:s8], $0x0  }
0x24: {  	s3 =	sadd.s32 $0x88, s3;
	s6 =	simm.s32 @!p1 $0x1082;
	[sflag:s4] =	ssyncset.s32 $0xFFFFF086  }
0x25: {  	[simem:s6], [sflag:s4] =	dma.local [hbm:s3], $0xF7A  }
0x26: {  	[smem:$0x3F9E] =	sst s1;
	(tag) =	ssettag s2;
	_ =	strace s9  }
0x27: {  	s1 =	sld [smem:$0x3FAE]  }
0x28: {  	s2 =	sld [smem:$0x3FAF]  }
0x29: {  	s4 =	sld [smem:$0x3FB1]  }
0x2a: {  	p0 =	seq.s32 s5, $0x0;
	s5 =	sld [smem:$0x3FB2]  }
0x2b: {  	s6 =	sld [smem:$0x3FB3]  }
0x2c: {  	s7 =	sld [smem:$0x3FB4]  }
0x2d: {  	s3 =	simm.s32 $0x108;
	s8 =	sld [smem:$0x3FB5]  }
0x2e: {  	s3 =	simm.s32 @!p0 $0x1082;
	s9 =	sld [smem:$0x3FB6]  }
0x2f: {  	lr =	sadd.s32 s0, s3;
	s0 =	sld [smem:$0x3FAD]  }
0x30: {  	s3 =	sld [smem:$0x3FB0]  }
0x31: {  	[smem:$0x3FB9] =	sst s10  }
0x32: {  	s10 =	sld [smem:$0x3FB7];
	_ =	sdelay $0x3  }
0x33: {  	p0 =	seq.s32 s10, $0x1;
	s10 =	sld [smem:$0x3FB9];
	_ =	sdelay $0x3  }
0x34: {  	[smem:$0x3FB9] =	sst s10  }
0x35: {  	s10 =	sld [smem:$0x3FB8];
	_ =	sdelay $0x3  }
0x36: {  	p1 =	seq.s32 s10, $0x1;
	s10 =	sld [smem:$0x3FB9];
	_ =	sdelay $0x3  }
0x37: {  	[smem:$0x3FB9] =	sst s10  }
0x38: {  	s10 =	sld [smem:$0x3FBA]  }
0x39: {  	_ = 	snop;
	(pc) =	sbr.ind lr, $3  }
0x3a: {  	_ = 	snop  }
0x3b: {  	_ = 	snop  }
0x3c: {  	p2 =	seq.s32 s10, $0x1;
	s10 =	sld [smem:$0x3FB9]  }
0x3d: {  	_ =	shalt  }
0x3e: {  	_ =	shalt  }
0x3f: {  	_ =	shalt  }
0x40: {  	_ =	shalt  }
0x41: {  	_ =	shalt  }
0x42: {  	_ =	shalt  }
0x43: {  	_ =	shalt  }
0x44: {  	_ =	shalt  }
0x45: {  	_ =	shalt  }
0x46: {  	_ =	shalt  }
0x47: {  	_ =	shalt  }
0x48: {  	_ =	shalt  }
0x49: {  	_ =	shalt  }
0x4a: {  	_ =	shalt  }
0x4b: {  	_ =	shalt  }
0x4c: {  	_ =	shalt  }
0x4d: {  	_ =	shalt  }
0x4e: {  	_ =	shalt  }
0x4f: {  	_ =	shalt  }
0x50: {  	_ =	shalt  }
0x51: {  	_ =	shalt  }
0x52: {  	_ =	shalt  }
0x53: {  	_ =	shalt  }
0x54: {  	_ =	shalt  }
0x55: {  	_ =	shalt  }
0x56: {  	_ =	shalt  }
0x57: {  	_ =	shalt  }
0x58: {  	_ =	shalt  }
0x59: {  	_ =	shalt  }
0x5a: {  	_ =	shalt  }
0x5b: {  	_ =	shalt  }
0x5c: {  	_ =	shalt  }
0x5d: {  	_ =	shalt  }
0x5e: {  	_ =	shalt  }
0x5f: {  	_ =	shalt  }
0x60: {  	_ =	shalt  }
0x61: {  	_ =	shalt  }
0x62: {  	_ =	shalt  }
0x63: {  	_ =	shalt  }
0x64: {  	_ =	shalt  }
0x65: {  	_ =	shalt  }
0x66: {  	_ =	shalt  }
0x67: {  	_ =	shalt  }
0x68: {  	_ =	shalt  }
0x69: {  	_ =	shalt  }
0x6a: {  	_ =	shalt  }
0x6b: {  	_ =	shalt  }
0x6c: {  	_ =	shalt  }
0x6d: {  	_ =	shalt  }
0x6e: {  	_ =	shalt  }
0x6f: {  	_ =	shalt  }
0x70: {  	_ =	shalt  }
0x71: {  	_ =	shalt  }
0x72: {  	_ =	shalt  }
0x73: {  	_ =	shalt  }
0x74: {  	_ =	shalt  }
0x75: {  	_ =	shalt  }
0x76: {  	_ =	shalt  }
0x77: {  	_ =	shalt  }
0x78: {  	_ =	shalt  }
0x79: {  	_ =	shalt  }
0x7a: {  	_ =	shalt  }
0x7b: {  	_ =	shalt  }
0x7c: {  	_ =	shalt  }
0x7d: {  	_ =	shalt  }
0x7e: {  	_ =	shalt  }
0x7f: {  	_ =	shalt  }
0x80: {  	_ =	shalt  }
0x81: {  	_ =	shalt  }
0x82: {  	_ =	shalt  }
0x83: {  	_ =	shalt  }
0x84: {  	_ =	shalt  }
0x85: {  	_ =	shalt  }
0x86: {  	_ =	shalt  }
0x87: {  	_ =	shalt  }
.Lfunc_end0:
.L_simem_size_0:
called_computation_lowered:
.L_overlay_start_0:
0x88: {  	s2 =	sld [smem:$0x3FD9]  }
0x89: {  	s3 =	sld [smem:$0x3FFE];
	_ =	sdelay $0x1  }
0x8a: {  	s1 =	srdreg.scid  }
0x8b: {  	s0 =	sand.u32 $0x1, s1  }
0x8c: {  	s17 =	sshll.u32 s0, $0xA;
	s2 =	sadd.s32 s3, s2  }
0x8d: {  	s2 =	sadd.s32 s2, s17  }
0x8e: {  	[smem:$0x3FC5] =	sst s2  }
0x8f: {  	_ = 	snop  }
0x90: {  	s2 =	sld [smem:$0x3FD0];
	(tm) =	ssettm $0x1  }
0x91: {  	s18 =	sld [smem:$0x3FFB];
	_ =	sdelay $0x3  }
0x92: {  	_ =	strace s18  }
0x93: {  	s3 =	sld [smem:$0x3FFC];
	_ =	sdelay $0x3  }
0x94: {  	_ =	strace s3  }
0x95: {  	s3 =	sld [smem:$0x3FFD];
	_ =	sdelay $0x3  }
0x96: {  	_ =	strace s3  }
0x97: {  	_ =	strace $0x8FFFFFFF  }
0x98: {  	s19 =	sld [smem:$0x3FDB];
	_ =	sdelay $0x1  }
0x99: {  	s4 =	simm.s32 $_scs_section_size  }
0x9a: {  	s5 =	simm.s32 $_size__tile_overlayer_lowered;
	s6 =	simm.s32 $_tile_overlayer_lowered  }
0x9b: {  	s22 =	simm.s32 $0x1BFF;
	s21 =	sshll.u32 s6, $0x1;
	s3 =	sadd.s32 s4, s19  }
0x9c: {  	s7 =	simm.s32 $0x0;
	s20 =	sshll.u32 s5, $0x1;
	s5 =	sadd.s32 s21, s3  }
0x9d: {  	[timem:s7], [sflag:s22] =	dma.local [hbm:s5], s20  }
0x9e: {  	_ =	swait.ge [sflag:s22], s20  }
0x9f: {  	s4 =	ssub.s32 $0x0, s20;
	[sflag:s22] =	ssyncset.done $0x0  }
0xa0: {  	[sflag:s22] =	ssyncadd.s32 s4;
	_ =	sdelay $0x1  }
0xa1: {  	s23 =	simm.s32 $0x1B8B  }
0xa2: {  	_ =	swait.ge [sflag:s23], $0x1  }
0xa3: {  	[sflag:s23] =	ssyncset.done $0x0  }
0xa4: {  	s25 =	simm.s32 $0x1B8E;
	s24 =	sld [smem:$0x3FFE];
	[sflag:s23] =	ssyncadd.s32 $0xFFFFFFFF  }
0xa5: {  	s26 =	simm.s32 $execute0_lowered;
	[smem:$0x3FD2] =	sst s25  }
0xa6: {  	s5 =	sshll.u32 s26, $0x1;
	_ =	strace $0x80000046;
	[dreg:$0x1] =	wrdreg $0xFFFFFFFF  }
0xa7: {  	s28 =	simm.s32 $_size_execute0_lowered;
	s3 =	sadd.s32 s3, s5;
	[dreg:$0x0] =	wrdreg $0x0  }
0xa8: {  	s5 =	sshll.u32 s28, $0x1;
	[dreg:$0x2] =	wrdreg s3  }
0xa9: {  	[dreg:$0x3] =	wrdreg s5  }
0xaa: {  	[dreg:$0x4] =	wrdreg $0xC0  }
0xab: {  	_ =	task [dreg:s7], $0x5FFFF  }
0xac: {  	[dreg:$0x1] =	wrdreg $0xFFFFFFFF  }
0xad: {  	[dreg:$0x0] =	wrdreg $0x60  }
0xae: {  	[dreg:$0x2] =	wrdreg s2  }
0xaf: {  	[dreg:$0x3] =	wrdreg s24  }
0xb0: {  	[dreg:$0x4] =	wrdreg $0x3C800  }
0xb1: {  	[dreg:$0x5] =	wrdreg $0x9  }
0xb2: {  	_ =	task.clear_ibuf [dreg:s7], $0x6FFFF;
	_ =	strace $0x90000046  }
0xb3: {  	s29 =	simm.s32 $0x9;
	_ =	strace $0x80000048  }
0xb4: {  	_ =	swait.ge [sflag:s29], $0x1  }
0xb5: {  	[sflag:s29] =	ssyncadd.s32 $0xFFFFFFFF  }
0xb6: {  	_ =	strace $0x90000048  }
0xb7: {  	_ =	sfence  }
0xb8: {  	s30 =	sld [smem:$0x0];
	_ =	sdelay $0x2  }
0xb9: {  	s31 =	sshll.u32 s1, $0xD;
	s1 =	sshrl.u32 s1, $0x2  }
0xba: {  	s3 =	sand.u32 $0x4000, s31;
	s1 =	sadd.s32 s1, s30  }
0xbb: {  	s0 =	sor.u32 s3, s0;
	s1 =	sshll.u32 s1, $0x11  }
0xbc: {  	s0 =	sor.u32 s1, s0  }
0xbd: {  	s0 =	sadd.s32 $0x8F2B, s0  }
0xbe: {  	[sflag:s0] =	ssyncadd.remote.s32 $0x1  }
0xbf: {  	_ =	sfence.sel $0xFFFF  }
0xc0: {  	[dreg:$0x0] =	wrdreg $0xFFFFFFFF;
	(pc) =	sbr.abs _section_cstart, $3  }
0xc1: {  	[dreg:$0x1] =	wrdreg $0xFFFFFFFF  }
0xc2: {  	_ =	task.clear_ibuf [dreg:s7], $0x2FFFF;
	_ =	strace $0x9FFFFFFF  }
0xc3: {  	(tm) =	ssettm $0x7FFFFFFF  }
tec
execute0_lowered:
.L_overlay_start_1:
0x0: {  	(tag) =	ssettag $0x1  }
0x1: {  	s5 =	rddreg [dreg:$0x0]  }
0x2: {  	s6 =	rddreg [dreg:$0x1]  }
0x3: {  	s1 =	rddreg [dreg:$0x2]  }
0x4: {  	s0 =	rddreg [dreg:$0x3];
	s2 =	simm.s32 $0x0;
	s3 =	srdreg.scid  }
0x5: {  	s12 =	simm.s32 $0x50;
	s13 =	simm.s32 $0x3C00;
	[smem:$0x7FF] =	sst s2  }
0x6: {  	s7 =	sand.u32 $0x1, s3;
	s3 =	stileid.u32;
	s4 =	sadd.s32 $0x1200, s6  }
0x7: {  	_ =	strace $0x80000047;
	s8 =	smul.u32 $0x500, s7;
	s9 =	sshll.u32 s7, $0x4  }
0x8: {  	s7 =	ssub.s32 $0x2, s7;
	s31 =	sshll.u32 s3, $0xA;
	s14 =	sshll.u32 s3, $0x7  }
0x9: {  	p0 =	sgt.u32 s3, $0x9;
	s9 =	sor.u32 s3, s9;
	s30 =	sshrl.u32 s7, $0x1  }
0xa: {  	s11 =	sadd.s32 s31, s1;
	s10 =	sshll.u32 @!p0 s3, $0x6;
	s8 =	sadd.s32 s8, s6  }
0xb: {  	s9 =	smul.u32 $0x280, s9;
	s7 =	ssub.s32 s7, s30;
	s6 =	sadd.s32 s4, s14  }
0xc: {  	v0 =	vlaneseq.u32;
	s10 =	sor.u32 @!p0 $0x1C01, s10;
	s11 =	sshrl.u32 @!p0 s11, $0x3;
	s15 =	sadd.s32 $0x29200, s8  }
0xd: {  	v5 =	vimm.f32 $1.000000000e+00;
	v1 =	vor.u32 $0x10, v0;
	s7 =	smax.u32 s7, $0x1;
	s8 =	simm.s32 $0x1;
	s5 =	sadd.s32 s5, s9  }
0xe: {  	v2 =	vor.u32 $0x20, v0;
	v3 =	vor.u32 $0x30, v0;
	v4 =	vor.u32 $0x40, v0;
	s9 =	simm.s32 $0x1400;
	s14 =	sadd.s32 @!p0 s14, s15;
	s15 =	simm.s32 $0x0  }
.LBB2_1:
0xf: {  	[tilespmem:s2], [sflag:$0x1] =	stream.linear.gather [hbm4b:s5+s2], $0x1400, $0x38;
	[tilespmem:$0x3F00] =	vst v63  }
0x10: {  	_ =	swait.ge [sflag:s8], $0x1400  }
0x11: {  	[sflag:s8] =	ssyncset.done $0x0  }
0x12: {  	[sflag:s8] =	ssyncadd.s32 $0xFFFFEC00  }
0x13: {  	[tilespmem:s9], [sflag:$0x1] =	stream.linear.gather [hbm4b:s4+s2], $0x2800, $0x38;
	[tilespmem:$0x3F00] =	vst v63  }
0x14: {  	_ =	swait.ge [sflag:s8], $0x2800  }
0x15: {  	[sflag:s8] =	ssyncset.done $0x0  }
0x16: {  	s16 =	simm.s32 @!p0 $0x1;
	[sflag:s8] =	ssyncadd.s32 $0xFFFFD800  }
0x17: {  	[spmem:s11], [sflag:s10] =	dma.local @!p0 [hbm:s6], $0x80  }
0x18: {  	_ =	swait.ge @!p0 [sflag:s16], $0x80  }
0x19: {  	[sflag:s16] =	ssyncset.done @!p0 $0x0  }
0x1a: {  	[sflag:s16] =	ssyncadd.s32 @!p0 $0xFFFFFF80  }
0x1b: {  	[tilespmem:$0x3C00] =	vst v0  }
0x1c: {  	[tilespmem:$0x3C10] =	vst v1  }
0x1d: {  	[tilespmem:$0x3C20] =	vst v2  }
0x1e: {  	[tilespmem:$0x3C30] =	vst v3  }
0x1f: {  	s17 =	simm.s32 $0x0;
	s16 =	simm.s32 $0x40;
	[tilespmem:$0x3C40] =	vst v4  }
.LBB2_2:
0x20: {  	p1 =	sne.s32 s16, $0x4FC0;
	v6 =	vld [tilespmem:s17+$0x0];
	_ =	sdelay $0x3  }
.Ltmp0:
0x21: {  	(pc) =	sbr.rel @p1 .LBB2_2-.Ltmp0, $2  }
0x22: {  	_ =	sdelay $0x2  }
0x23: {  	s17 =	sshra.s32 s16, $0x2;
	s16 =	sadd.s32 $0x40, s16;
	[tilespmem:v6+s9+$0x0] =	vst.idx.add.f32.msk $0xffff, v5  }
0x24: {  	v6 =	vld [tilespmem:s17+$0x0];
	_ =	sdelay $0x7  }
0x25: {  	[tilespmem:v6+s9+$0x0] =	vst.idx.add.f32.msk $0xffff, v5  }
0x26: {  	[bflag:$0x0] =	sbarrier.arrive $0xFFFF  }
0x27: {  	[spmem:s1] =	stream.indirect.scatter.add.f32 [tilespmem:s9], [sflag:$0x1], $0x80, s13, s12, $0xb8;
	[tilespmem:$0x3F00] =	vst v63  }
0x28: {  	_ =	swait.ge [sflag:s8], $0x2800  }
0x29: {  	s15 =	sadd.s32 $0x1, s15;
	[sflag:s8] =	ssyncset.done $0x0  }
0x2a: {  	p1 =	sne.s32 s15, s7;
	[sflag:s8] =	ssyncadd.s32 $0xFFFFD800  }
.Ltmp1:
0x2b: {  	s16 =	simm.s32 @!p0 $0x1;
	[bflag:$0x0] =	sbarrier.arrive $0xFFFF;
	(pc) =	sbr.rel @p1 .LBB2_1-.Ltmp1, $4  }
0x2c: {  	[hbm:s14], [sflag:s10] =	dma.local @!p0 [spmem:s11], $0x80  }
0x2d: {  	_ =	swait.ge @!p0 [sflag:s16], $0x80  }
0x2e: {  	[sflag:s16] =	ssyncset.done @!p0 $0x0  }
0x2f: {  	[sflag:s16] =	ssyncadd.s32 @!p0 $0xFFFFFF80  }
0x30: {  	_ =	sfence.sel $0x180000  }
0x31: {  	[bflag:$0x0] =	sbarrier.arrive $0xFFFF  }
0x32: {  	p0 =	sne.s32 s3, $0x0;
	_ =	strace $0x90000047  }
0x33: {  	s0 =	sadd.s32 @!p0 $0x100000, s0;
	[bflag:$0x2] =	sbarrier.arrive $0xFFFF  }
0x34: {  	[sflag:s0] =	ssyncadd.tile.s32 @!p0 $0x1;
	_ =	shalt  }
.Lfunc_end2:
_tile_overlayer_lowered:
.L_overlay_start_2:
0x35: {  	(tag) =	ssettag $0x2  }
0x36: {  	s0 =	rddreg [dreg:$0x0];
	s2 =	stileid.u32  }
0x37: {  	s1 =	rddreg [dreg:$0x1];
	p0 =	sne.s32 s2, $0x0  }
0x38: {  	s3 =	rddreg [dreg:$0x2];
	[bflag:$0x3] =	sbarrier.arrive $0xFFFF;
	s2 =	simm.s32 @!p0 $0x1C01  }
0x39: {  	[timem:s3], [sflag:s2] =	dma.local @!p0 [hbm:s0], s1  }
0x3a: {  	s0 =	simm.s32 @!p0 $0x1  }
0x3b: {  	_ =	swait.ge @!p0 [sflag:s0], s1  }
0x3c: {  	s1 =	ssub.s32 @!p0 $0x0, s1;
	[sflag:s0] =	ssyncset.done @!p0 $0x0  }
0x3d: {  	[sflag:s0] =	ssyncadd.s32 @!p0 s1  }
0x3e: {  	[bflag:$0x3] =	sbarrier.arrive $0xFFFF  }
0x3f: {  	_ =	shalt  }

</sc_bundles>
